<compile_context>
chip_gen: v7x
topology: tpu7x:2x2x1
jax: 0.10.2.dev20260603
libtpu: 0.0.44.dev20260713+nightly
codegen_flags: <defaults>
</compile_context>

<pallas_src>
import functools

import jax
import jax.numpy as jnp
from jax.experimental import pallas as pl
from jax.experimental.pallas import tpu as pltpu

_H = 512
_W = 512
_SIGMA = 1.0
_TEMP = 0.1
_LANES = 128


def _proj_body(sx_ref, sy_ref, dep_ref_in, ss_ref, sizes_ref, dens_ref,
               pa_ref, pid_ref):
    sx = sx_ref[...]
    sy = sy_ref[...]
    depth = dep_ref_in[...]
    ss = ss_ref[...]
    valid = ((depth > 0.1) & (depth < 100.0)
             & (sx + ss >= 0) & (sx - ss < _W)
             & (sy + ss >= 0) & (sy - ss < _H))
    pxf = jnp.clip(jnp.round(sx), 0.0, _W - 1.0)
    pyf = jnp.clip(jnp.round(sy), 0.0, _H - 1.0)
    dx = pxf - sx
    dy = pyf - sy
    dist = jnp.sqrt(dx * dx + dy * dy + 1e-12)
    inside = (dist <= jnp.maximum(ss * 0.5, 0.71)).astype(jnp.float32)
    w = jnp.clip(jnp.exp(-dist / (2.0 * _SIGMA ** 2)), 0.0, 1.0)
    dens = dens_ref[...]
    sig = jnp.maximum(dens, 0.0) + jnp.log1p(jnp.exp(-jnp.abs(dens)))
    v_alpha = jnp.clip(1.0 - jnp.exp(-sig * sizes_ref[...]), 0.0, 1.0)
    pa = v_alpha * w * inside * valid.astype(jnp.float32)
    px = jnp.where(valid, pxf, 0.0).astype(jnp.int32)
    py = jnp.where(valid, pyf, 0.0).astype(jnp.int32)
    pa_ref[...] = pa
    pid_ref[...] = py * _W + px


def _project(sx2, sy2, dep2, ss2, sizes2, dens2, interpret=False):
    rows = sizes2.shape[0]
    shape = (rows, _LANES)
    return pl.pallas_call(
        _proj_body,
        in_specs=[pl.BlockSpec(memory_space=pltpu.VMEM)] * 6,
        out_specs=[pl.BlockSpec(memory_space=pltpu.VMEM)] * 2,
        out_shape=[
            jax.ShapeDtypeStruct(shape, jnp.float32),
            jax.ShapeDtypeStruct(shape, jnp.int32),
        ],
        interpret=interpret,
    )(sx2, sy2, dep2, ss2, sizes2, dens2)


def _blend_body(n_steps, pidf_ref, pa_ref, dep_ref, r_ref, g_ref, b_ref,
                R, G, B, D, A):
    nrows = _H * _W // _LANES
    R[...] = jnp.zeros((nrows, _LANES), jnp.float32)
    G[...] = jnp.zeros((nrows, _LANES), jnp.float32)
    B[...] = jnp.zeros((nrows, _LANES), jnp.float32)
    A[...] = jnp.zeros((nrows, _LANES), jnp.float32)
    D[...] = jnp.full((nrows, _LANES), 100.0, jnp.float32)

    iota = jax.lax.broadcasted_iota(jnp.int32, (1, _LANES), 1)

    def step(i, _):
        rr = i // _LANES
        cc = i - rr * _LANES
        frow = pl.ds(rr, 1)
        cmask = (iota == cc).astype(jnp.float32)
        pa = jnp.sum(pa_ref[frow, :] * cmask)
        dep = jnp.sum(dep_ref[frow, :] * cmask)
        cr = jnp.sum(r_ref[frow, :] * cmask)
        cg = jnp.sum(g_ref[frow, :] * cmask)
        cb = jnp.sum(b_ref[frow, :] * cmask)
        pf = jnp.sum(pidf_ref[frow, :] * cmask)
        srf = jnp.floor(pf * (1.0 / _LANES))
        lxf = pf - srf * _LANES
        sr = srf.astype(jnp.int32)
        lx = lxf.astype(jnp.int32)
        ys = pl.ds(sr, 1)
        pmask = iota == lx
        cura_row = A[ys, :]
        blend_row = jnp.clip(pa * (1.0 - cura_row), 0.0, 1.0)
        omb_row = 1.0 - blend_row
        R[ys, :] = jnp.where(pmask, R[ys, :] * omb_row + cr * blend_row,
                             R[ys, :])
        G[ys, :] = jnp.where(pmask, G[ys, :] * omb_row + cg * blend_row,
                             G[ys, :])
        B[ys, :] = jnp.where(pmask, B[ys, :] * omb_row + cb * blend_row,
                             B[ys, :])
        A[ys, :] = jnp.where(pmask,
                             jnp.clip(cura_row + blend_row, 0.0, 1.0),
                             cura_row)
        drow = D[ys, :]
        D[ys, :] = jnp.where(pmask & (blend_row > 0.01),
                             jnp.minimum(drow, dep), drow)
        return 0

    jax.lax.fori_loop(0, n_steps, step, 0)


def _blend(pid, pa2, dep2, r2, g2, b2, n_steps, interpret=False):
    fb = jax.ShapeDtypeStruct((_H * _W // _LANES, _LANES), jnp.float32)
    return pl.pallas_call(
        functools.partial(_blend_body, n_steps),
        in_specs=[pl.BlockSpec(memory_space=pltpu.VMEM)] * 6,
        out_specs=[pl.BlockSpec(memory_space=pltpu.VMEM)] * 5,
        out_shape=[fb] * 5,
        interpret=interpret,
    )(pid, pa2, dep2, r2, g2, b2)


def _rasterize_impl(positions, sizes, densities, colors,
                    camera_matrix, intrinsics, interpret=False):
    n = positions.shape[0]
    npad = ((n + _LANES - 1) // _LANES) * _LANES
    rows = npad // _LANES
    hom = jnp.concatenate([positions, jnp.ones((n, 1), positions.dtype)], axis=1)
    cam = hom @ camera_matrix.T
    cam3 = cam[:, :3] / cam[:, 3:4]
    scr = cam3 @ intrinsics.T
    xy = scr[:, :2] / scr[:, 2:3]
    dep = cam3[:, 2]
    ss = sizes * intrinsics[0, 0] / jnp.clip(dep, 0.1)

    def p2(v):
        return jnp.pad(v, (0, npad - n)).reshape(rows, _LANES)

    proj = _project(p2(xy[:, 0]), p2(xy[:, 1]), p2(dep), p2(ss),
                    p2(sizes), p2(densities), interpret=interpret)
    pa = proj[0].reshape(-1)[:n]
    pid = proj[1].reshape(-1)[:n]

    sort_w = jax.nn.softmax(dep / _TEMP)
    order = jnp.argsort(-sort_w)

    pad = npad - n
    pa_s = jnp.pad(pa[order], (0, pad)).reshape(rows, _LANES)
    dep_s = jnp.pad(dep[order], (0, pad)).reshape(rows, _LANES)
    pid_s = jnp.pad(pid[order], (0, pad)).astype(jnp.float32).reshape(rows, _LANES)
    col_s = colors[order]
    r_s = jnp.pad(col_s[:, 0], (0, pad)).reshape(rows, _LANES)
    g_s = jnp.pad(col_s[:, 1], (0, pad)).reshape(rows, _LANES)
    b_s = jnp.pad(col_s[:, 2], (0, pad)).reshape(rows, _LANES)

    pid_s, pa_s, dep_s, r_s, g_s, b_s = jax.lax.optimization_barrier(
        (pid_s, pa_s, dep_s, r_s, g_s, b_s))
    R, G, B, D, A = _blend(pid_s, pa_s, dep_s, r_s, g_s, b_s, n,
                           interpret=interpret)
    color = jnp.stack([R.reshape(_H, _W), G.reshape(_H, _W),
                       B.reshape(_H, _W)], axis=-1)
    return color, D.reshape(_H, _W), A.reshape(_H, _W)


def kernel(positions, sizes, densities, colors, camera_matrix, intrinsics):
    return _rasterize_impl(positions, sizes, densities, colors,
                           camera_matrix, intrinsics, interpret=False)

# --- scband reference (transcript-rebuilt; emitter-appended) ---
"""Pipeline reference for scband-differentiable-voxel-rasterizer-17514876634266 (READ-ONLY COPY).

The authoritative reference and input builder live on the scoring server;
editing this copy changes nothing except your own understanding.
"""

import jax, jax.numpy as jnp
import numpy as np

H = 512
W = 512
SIGMA = 1.0
TEMPERATURE = 0.1
N_VOXELS = 50000


def setup_inputs(seed: int = 0):
    key = jax.random.key(seed)
    ks = jax.random.split(key, 4)
    positions = jax.random.normal(ks[0], (N_VOXELS, 3), dtype=jnp.float32) * 2.0
    sizes = jax.random.uniform(ks[1], (N_VOXELS,), dtype=jnp.float32) * 0.5 + 0.05
    densities = jax.random.normal(ks[2], (N_VOXELS,), dtype=jnp.float32)
    colors = jax.random.uniform(ks[3], (N_VOXELS, 3), dtype=jnp.float32)
    camera_matrix = jnp.array([[1.0, 0.0, 0.0, 0.0], [0.0, 1.0, 0.0, 0.0], [0.0, 0.0, 1.0, 8.0], [0.0, 0.0, 0.0, 1.0]], dtype=jnp.float32)
    intrinsics = jnp.array([[500.0, 0.0, 256.0], [0.0, 500.0, 256.0], [0.0, 0.0, 1.0]], dtype=jnp.float32)
    return {"positions": positions, "sizes": sizes, "densities": densities, "colors": colors, "camera_matrix": camera_matrix, "intrinsics": intrinsics}


def _rasterize(positions, sizes, densities, colors, camera_matrix, intrinsics):
    n = positions.shape[0]
    hom = jnp.concatenate([positions, jnp.ones((n, 1), positions.dtype)], axis=1)
    cam = hom @ camera_matrix.T
    cam3 = cam[:, :3] / cam[:, 3:4]
    scr = cam3 @ intrinsics.T
    xy = scr[:, :2] / scr[:, 2:3]
    depths = cam3[:, 2]
    screen_sizes = sizes * intrinsics[0, 0] / jnp.clip(depths, 0.1)
    x = xy[:, 0]
    y = xy[:, 1]
    valid = (depths > 0.1) & (depths < 100.0) & (x + screen_sizes >= 0) & (x - screen_sizes < W) & (y + screen_sizes >= 0) & (y - screen_sizes < H)
    sort_w = jax.nn.softmax(depths / TEMPERATURE)
    order = jnp.argsort(-sort_w)
    x_s = x[order]
    y_s = y[order]
    d_s = depths[order]
    v_s = valid[order]
    hs_s = screen_sizes[order] * 0.5
    dens_s = densities[order]
    size_s = sizes[order]
    col_s = colors[order]
    px = jnp.clip(jnp.round(x_s), 0, W - 1).astype(jnp.int32)
    py = jnp.clip(jnp.round(y_s), 0, H - 1).astype(jnp.int32)
    dx = px.astype(jnp.float32) - x_s
    dy = py.astype(jnp.float32) - y_s
    dist = jnp.sqrt(dx * dx + dy * dy + 1e-12)
    inside = (dist <= jnp.maximum(hs_s, 0.71)).astype(jnp.float32)
    w = jnp.clip(jnp.exp(-dist / (2.0 * SIGMA ** 2)), 0.0, 1.0)
    sig = jax.nn.softplus(dens_s)
    v_alpha = jnp.clip(1.0 - jnp.exp(-sig * size_s), 0.0, 1.0)
    p_alpha = v_alpha * w * inside * v_s.astype(jnp.float32)
    color_buf = jnp.zeros((H, W, 3), dtype=jnp.float32)
    depth_buf = jnp.full((H, W), 100.0, dtype=jnp.float32)
    alpha_buf = jnp.zeros((H, W), dtype=jnp.float32)

    def step(carry, inp):
        cb, db, ab = carry
        pyi, pxi, pa, col, dep = inp
        cur_a = ab[pyi, pxi]
        blend = jnp.clip(pa * (1.0 - cur_a), 0.0, 1.0)
        new_c = cb[pyi, pxi] * (1.0 - blend) + col * blend
        cb = cb.at[pyi, pxi].set(new_c)
        ab = ab.at[pyi, pxi].set(jnp.clip(cur_a + blend, 0.0, 1.0))
        new_d = jnp.where(blend > 0.01, jnp.minimum(db[pyi, pxi], dep), db[pyi, pxi])
        db = db.at[pyi, pxi].set(new_d)
        return (cb, db, ab), None

    (color_buf, depth_buf, alpha_buf), _ = jax.lax.scan(step, (color_buf, depth_buf, alpha_buf), (py, px, p_alpha, col_s, d_s))
    return color_buf, depth_buf, alpha_buf


def reference(positions, sizes, densities, colors, camera_matrix, intrinsics):
    return _rasterize(positions, sizes, densities, colors, camera_matrix, intrinsics)

if __name__ == "__main__":
    import jax
    _d = setup_inputs()
    print(jax.jit(kernel)(*tuple(_d.values())))

</pallas_src>

<mosaic_0001>
module attributes {stable_mosaic.version = 14 : i64} {
  func.func @_proj_body(%arg0: memref<391x128xf32, #tpu.memory_space<vmem>>, %arg1: memref<391x128xf32, #tpu.memory_space<vmem>>, %arg2: memref<391x128xf32, #tpu.memory_space<vmem>>, %arg3: memref<391x128xf32, #tpu.memory_space<vmem>>, %arg4: memref<391x128xf32, #tpu.memory_space<vmem>>, %arg5: memref<391x128xf32, #tpu.memory_space<vmem>>, %arg6: memref<391x128xf32, #tpu.memory_space<vmem>>, %arg7: memref<391x128xi32, #tpu.memory_space<vmem>>) attributes {dimension_semantics = [], scalar_prefetch = 0 : i64, scratch_operands = 0 : i64, tpu.core_type = #tpu.core_type<tc>} {
    %get3A = arith.constant 0 : index
    %get3A_0 = arith.constant 0 : index
    %get3A_1 = vector.load %arg0[%get3A, %get3A_0] : memref<391x128xf32, #tpu.memory_space<vmem>>, vector<391x128xf32>
    %get3A_2 = arith.constant 0 : index
    %get3A_3 = arith.constant 0 : index
    %get3A_4 = vector.load %arg1[%get3A_2, %get3A_3] : memref<391x128xf32, #tpu.memory_space<vmem>>, vector<391x128xf32>
    %get3A_5 = arith.constant 0 : index
    %get3A_6 = arith.constant 0 : index
    %get3A_7 = vector.load %arg2[%get3A_5, %get3A_6] : memref<391x128xf32, #tpu.memory_space<vmem>>, vector<391x128xf32>
    %get3A_8 = arith.constant 0 : index
    %get3A_9 = arith.constant 0 : index
    %get3A_10 = vector.load %arg3[%get3A_8, %get3A_9] : memref<391x128xf32, #tpu.memory_space<vmem>>, vector<391x128xf32>
    %gt3A = arith.constant 1.000000e-01 : f32
    %gt3A_11 = vector.broadcast %gt3A : f32 to vector<391x128xf32>
    %gt3A_12 = arith.cmpf ogt, %get3A_7, %gt3A_11 : vector<391x128xf32>
    %lt3A = arith.constant 1.000000e+02 : f32
    %lt3A_13 = vector.broadcast %lt3A : f32 to vector<391x128xf32>
    %lt3A_14 = arith.cmpf olt, %get3A_7, %lt3A_13 : vector<391x128xf32>
    %and3A = arith.andi %gt3A_12, %lt3A_14 : vector<391x128xi1>
    %add3A = arith.addf %get3A_1, %get3A_10 : vector<391x128xf32>
    %ge3A = arith.constant 0.000000e+00 : f32
    %ge3A_15 = vector.broadcast %ge3A : f32 to vector<391x128xf32>
    %ge3A_16 = arith.cmpf oge, %add3A, %ge3A_15 : vector<391x128xf32>
    %and3A_17 = arith.andi %and3A, %ge3A_16 : vector<391x128xi1>
    %sub3A = arith.subf %get3A_1, %get3A_10 : vector<391x128xf32>
    %lt3A_18 = arith.constant 5.120000e+02 : f32
    %lt3A_19 = vector.broadcast %lt3A_18 : f32 to vector<391x128xf32>
    %lt3A_20 = arith.cmpf olt, %sub3A, %lt3A_19 : vector<391x128xf32>
    %and3A_21 = arith.andi %and3A_17, %lt3A_20 : vector<391x128xi1>
    %add3A_22 = arith.addf %get3A_4, %get3A_10 : vector<391x128xf32>
    %ge3A_23 = arith.constant 0.000000e+00 : f32
    %ge3A_24 = vector.broadcast %ge3A_23 : f32 to vector<391x128xf32>
    %ge3A_25 = arith.cmpf oge, %add3A_22, %ge3A_24 : vector<391x128xf32>
    %and3A_26 = arith.andi %and3A_21, %ge3A_25 : vector<391x128xi1>
    %sub3A_27 = arith.subf %get3A_4, %get3A_10 : vector<391x128xf32>
    %lt3A_28 = arith.constant 5.120000e+02 : f32
    %lt3A_29 = vector.broadcast %lt3A_28 : f32 to vector<391x128xf32>
    %lt3A_30 = arith.cmpf olt, %sub3A_27, %lt3A_29 : vector<391x128xf32>
    %and3A_31 = arith.andi %and3A_26, %lt3A_30 : vector<391x128xi1>
    %round3A = math.roundeven %get3A_1 : vector<391x128xf32>
    %jit3A = arith.constant 0.000000e+00 : f32
    %jit3A_32 = arith.constant 5.110000e+02 : f32
    %max3A = vector.broadcast %jit3A : f32 to vector<391x128xf32>
    %max3A_33 = arith.maximumf %max3A, %round3A : vector<391x128xf32>
    %min3A = vector.broadcast %jit3A_32 : f32 to vector<391x128xf32>
    %min3A_34 = arith.minimumf %min3A, %max3A_33 : vector<391x128xf32>
    %round3A_35 = math.roundeven %get3A_4 : vector<391x128xf32>
    %jit3A_36 = arith.constant 0.000000e+00 : f32
    %jit3A_37 = arith.constant 5.110000e+02 : f32
    %max3A_38 = vector.broadcast %jit3A_36 : f32 to vector<391x128xf32>
    %max3A_39 = arith.maximumf %max3A_38, %round3A_35 : vector<391x128xf32>
    %min3A_40 = vector.broadcast %jit3A_37 : f32 to vector<391x128xf32>
    %min3A_41 = arith.minimumf %min3A_40, %max3A_39 : vector<391x128xf32>
    %sub3A_42 = arith.subf %min3A_34, %get3A_1 : vector<391x128xf32>
    %sub3A_43 = arith.subf %min3A_41, %get3A_4 : vector<391x128xf32>
    %mul3A = arith.mulf %sub3A_42, %sub3A_42 : vector<391x128xf32>
    %mul3A_44 = arith.mulf %sub3A_43, %sub3A_43 : vector<391x128xf32>
    %add3A_45 = arith.addf %mul3A, %mul3A_44 : vector<391x128xf32>
    %add3A_46 = arith.constant 9.99999996E-13 : f32
    %add3A_47 = vector.broadcast %add3A_46 : f32 to vector<391x128xf32>
    %add3A_48 = arith.addf %add3A_45, %add3A_47 : vector<391x128xf32>
    %sqrt3A = math.sqrt %add3A_48 : vector<391x128xf32>
    %mul3A_49 = arith.constant 5.000000e-01 : f32
    %mul3A_50 = vector.broadcast %mul3A_49 : f32 to vector<391x128xf32>
    %mul3A_51 = arith.mulf %get3A_10, %mul3A_50 : vector<391x128xf32>
    %max3A_52 = arith.constant 0.709999978 : f32
    %max3A_53 = vector.broadcast %max3A_52 : f32 to vector<391x128xf32>
    %max3A_54 = arith.maximumf %mul3A_51, %max3A_53 : vector<391x128xf32>
    %le3A = arith.cmpf ole, %sqrt3A, %max3A_54 : vector<391x128xf32>
    %convert_element_type3A = arith.extui %le3A : vector<391x128xi1> to vector<391x128xi32>
    %convert_element_type3A_55 = arith.sitofp %convert_element_type3A : vector<391x128xi32> to vector<391x128xf32>
    %neg3A = arith.constant 0.000000e+00 : f32
    %neg3A_56 = vector.broadcast %neg3A : f32 to vector<391x128xf32>
    %neg3A_57 = arith.subf %neg3A_56, %sqrt3A : vector<391x128xf32>
    %div3A = arith.constant 2.000000e+00 : f32
    %div3A_58 = vector.broadcast %div3A : f32 to vector<391x128xf32>
    %div3A_59 = arith.divf %neg3A_57, %div3A_58 : vector<391x128xf32>
    %exp3A = math.exp %div3A_59 : vector<391x128xf32>
    %jit3A_60 = arith.constant 0.000000e+00 : f32
    %jit3A_61 = arith.constant 1.000000e+00 : f32
    %max3A_62 = vector.broadcast %jit3A_60 : f32 to vector<391x128xf32>
    %max3A_63 = arith.maximumf %max3A_62, %exp3A : vector<391x128xf32>
    %min3A_64 = vector.broadcast %jit3A_61 : f32 to vector<391x128xf32>
    %min3A_65 = arith.minimumf %min3A_64, %max3A_63 : vector<391x128xf32>
    %get3A_66 = arith.constant 0 : index
    %get3A_67 = arith.constant 0 : index
    %get3A_68 = vector.load %arg5[%get3A_66, %get3A_67] : memref<391x128xf32, #tpu.memory_space<vmem>>, vector<391x128xf32>
    %max3A_69 = arith.constant 0.000000e+00 : f32
    %max3A_70 = vector.broadcast %max3A_69 : f32 to vector<391x128xf32>
    %max3A_71 = arith.maximumf %get3A_68, %max3A_70 : vector<391x128xf32>
    %abs3A = math.absf %get3A_68 : vector<391x128xf32>
    %neg3A_72 = arith.constant 0.000000e+00 : f32
    %neg3A_73 = vector.broadcast %neg3A_72 : f32 to vector<391x128xf32>
    %neg3A_74 = arith.subf %neg3A_73, %abs3A : vector<391x128xf32>
    %exp3A_75 = math.exp %neg3A_74 : vector<391x128xf32>
    %log1p3A = math.log1p %exp3A_75 : vector<391x128xf32>
    %add3A_76 = arith.addf %max3A_71, %log1p3A : vector<391x128xf32>
    %neg3A_77 = arith.constant 0.000000e+00 : f32
    %neg3A_78 = vector.broadcast %neg3A_77 : f32 to vector<391x128xf32>
    %neg3A_79 = arith.subf %neg3A_78, %add3A_76 : vector<391x128xf32>
    %get3A_80 = arith.constant 0 : index
    %get3A_81 = arith.constant 0 : index
    %get3A_82 = vector.load %arg4[%get3A_80, %get3A_81] : memref<391x128xf32, #tpu.memory_space<vmem>>, vector<391x128xf32>
    %mul3A_83 = arith.mulf %neg3A_79, %get3A_82 : vector<391x128xf32>
    %exp3A_84 = math.exp %mul3A_83 : vector<391x128xf32>
    %sub3A_85 = arith.constant 1.000000e+00 : f32
    %sub3A_86 = vector.broadcast %sub3A_85 : f32 to vector<391x128xf32>
    %sub3A_87 = arith.subf %sub3A_86, %exp3A_84 : vector<391x128xf32>
    %jit3A_88 = arith.constant 0.000000e+00 : f32
    %jit3A_89 = arith.constant 1.000000e+00 : f32
    %max3A_90 = vector.broadcast %jit3A_88 : f32 to vector<391x128xf32>
    %max3A_91 = arith.maximumf %max3A_90, %sub3A_87 : vector<391x128xf32>
    %min3A_92 = vector.broadcast %jit3A_89 : f32 to vector<391x128xf32>
    %min3A_93 = arith.minimumf %min3A_92, %max3A_91 : vector<391x128xf32>
    %mul3A_94 = arith.mulf %min3A_93, %min3A_65 : vector<391x128xf32>
    %mul3A_95 = arith.mulf %mul3A_94, %convert_element_type3A_55 : vector<391x128xf32>
    %convert_element_type3A_96 = arith.extui %and3A_31 : vector<391x128xi1> to vector<391x128xi32>
    %convert_element_type3A_97 = arith.sitofp %convert_element_type3A_96 : vector<391x128xi32> to vector<391x128xf32>
    %mul3A_98 = arith.mulf %mul3A_95, %convert_element_type3A_97 : vector<391x128xf32>
    %jit3A_99 = arith.constant 0.000000e+00 : f32
    %broadcast_in_dim3A = vector.broadcast %jit3A_99 : f32 to vector<391x128xf32>
    %select_n3A = arith.select %and3A_31, %min3A_34, %broadcast_in_dim3A : vector<391x128xi1>, vector<391x128xf32>
    %convert_element_type3A_100 = arith.fptosi %select_n3A : vector<391x128xf32> to vector<391x128xi32>
    %jit3A_101 = arith.constant 0.000000e+00 : f32
    %broadcast_in_dim3A_102 = vector.broadcast %jit3A_101 : f32 to vector<391x128xf32>
    %select_n3A_103 = arith.select %and3A_31, %min3A_41, %broadcast_in_dim3A_102 : vector<391x128xi1>, vector<391x128xf32>
    %convert_element_type3A_104 = arith.fptosi %select_n3A_103 : vector<391x128xf32> to vector<391x128xi32>
    %swap3A = arith.constant 0 : index
    %swap3A_105 = arith.constant 0 : index
    %swap3A_106 = vector.load %arg6[%swap3A, %swap3A_105] : memref<391x128xf32, #tpu.memory_space<vmem>>, vector<391x128xf32>
    tpu.vector_store %arg6[%swap3A, %swap3A_105], %mul3A_98 {strides = array<i32>} : memref<391x128xf32, #tpu.memory_space<vmem>>, vector<391x128xf32>,
    %mul3A_107 = arith.constant 512 : i32
    %mul3A_108 = vector.broadcast %mul3A_107 : i32 to vector<391x128xi32>
    %mul3A_109 = arith.muli %convert_element_type3A_104, %mul3A_108 : vector<391x128xi32>
    %add3A_110 = arith.addi %mul3A_109, %convert_element_type3A_100 : vector<391x128xi32>
    %swap3A_111 = arith.constant 0 : index
    %swap3A_112 = arith.constant 0 : index
    %swap3A_113 = vector.load %arg7[%swap3A_111, %swap3A_112] : memref<391x128xi32, #tpu.memory_space<vmem>>, vector<391x128xi32>
    tpu.vector_store %arg7[%swap3A_111, %swap3A_112], %add3A_110 {strides = array<i32>} : memref<391x128xi32, #tpu.memory_space<vmem>>, vector<391x128xi32>,
    return
  }
}

module attributes {stable_mosaic.version = 14 : i64} {
  func.func @_blend_body(%arg0: memref<391x128xf32, #tpu.memory_space<vmem>>, %arg1: memref<391x128xf32, #tpu.memory_space<vmem>>, %arg2: memref<391x128xf32, #tpu.memory_space<vmem>>, %arg3: memref<391x128xf32, #tpu.memory_space<vmem>>, %arg4: memref<391x128xf32, #tpu.memory_space<vmem>>, %arg5: memref<391x128xf32, #tpu.memory_space<vmem>>, %arg6: memref<2048x128xf32, #tpu.memory_space<vmem>>, %arg7: memref<2048x128xf32, #tpu.memory_space<vmem>>, %arg8: memref<2048x128xf32, #tpu.memory_space<vmem>>, %arg9: memref<2048x128xf32, #tpu.memory_space<vmem>>, %arg10: memref<2048x128xf32, #tpu.memory_space<vmem>>) attributes {dimension_semantics = [], scalar_prefetch = 0 : i64, scratch_operands = 0 : i64, tpu.core_type = #tpu.core_type<tc>} {
    %broadcast_in_dim3A = arith.constant 0.000000e+00 : f32
    %broadcast_in_dim3A_0 = vector.broadcast %broadcast_in_dim3A : f32 to vector<2048x128xf32>
    %swap3A = arith.constant 0 : index
    %swap3A_1 = arith.constant 0 : index
    %swap3A_2 = vector.load %arg6[%swap3A, %swap3A_1] : memref<2048x128xf32, #tpu.memory_space<vmem>>, vector<2048x128xf32>
    tpu.vector_store %arg6[%swap3A, %swap3A_1], %broadcast_in_dim3A_0 {strides = array<i32>} : memref<2048x128xf32, #tpu.memory_space<vmem>>, vector<2048x128xf32>,
    %broadcast_in_dim3A_3 = arith.constant 0.000000e+00 : f32
    %broadcast_in_dim3A_4 = vector.broadcast %broadcast_in_dim3A_3 : f32 to vector<2048x128xf32>
    %swap3A_5 = arith.constant 0 : index
    %swap3A_6 = arith.constant 0 : index
    %swap3A_7 = vector.load %arg7[%swap3A_5, %swap3A_6] : memref<2048x128xf32, #tpu.memory_space<vmem>>, vector<2048x128xf32>
    tpu.vector_store %arg7[%swap3A_5, %swap3A_6], %broadcast_in_dim3A_4 {strides = array<i32>} : memref<2048x128xf32, #tpu.memory_space<vmem>>, vector<2048x128xf32>,
    %broadcast_in_dim3A_8 = arith.constant 0.000000e+00 : f32
    %broadcast_in_dim3A_9 = vector.broadcast %broadcast_in_dim3A_8 : f32 to vector<2048x128xf32>
    %swap3A_10 = arith.constant 0 : index
    %swap3A_11 = arith.constant 0 : index
    %swap3A_12 = vector.load %arg8[%swap3A_10, %swap3A_11] : memref<2048x128xf32, #tpu.memory_space<vmem>>, vector<2048x128xf32>
    tpu.vector_store %arg8[%swap3A_10, %swap3A_11], %broadcast_in_dim3A_9 {strides = array<i32>} : memref<2048x128xf32, #tpu.memory_space<vmem>>, vector<2048x128xf32>,
    %broadcast_in_dim3A_13 = arith.constant 0.000000e+00 : f32
    %broadcast_in_dim3A_14 = vector.broadcast %broadcast_in_dim3A_13 : f32 to vector<2048x128xf32>
    %swap3A_15 = arith.constant 0 : index
    %swap3A_16 = arith.constant 0 : index
    %swap3A_17 = vector.load %arg10[%swap3A_15, %swap3A_16] : memref<2048x128xf32, #tpu.memory_space<vmem>>, vector<2048x128xf32>
    tpu.vector_store %arg10[%swap3A_15, %swap3A_16], %broadcast_in_dim3A_14 {strides = array<i32>} : memref<2048x128xf32, #tpu.memory_space<vmem>>, vector<2048x128xf32>,
    %broadcast_in_dim3A_18 = arith.constant 1.000000e+02 : f32
    %broadcast_in_dim3A_19 = vector.broadcast %broadcast_in_dim3A_18 : f32 to vector<2048x128xf32>
    %swap3A_20 = arith.constant 0 : index
    %swap3A_21 = arith.constant 0 : index
    %swap3A_22 = vector.load %arg9[%swap3A_20, %swap3A_21] : memref<2048x128xf32, #tpu.memory_space<vmem>>, vector<2048x128xf32>
    tpu.vector_store %arg9[%swap3A_20, %swap3A_21], %broadcast_in_dim3A_19 {strides = array<i32>} : memref<2048x128xf32, #tpu.memory_space<vmem>>, vector<2048x128xf32>,
    %iota3A = tpu.iota {dimensions = array<i32: 1>} : vector<1x128xi32>
    %scan3A = arith.constant 0 : i32
    %scan3A_23 = arith.constant 50000 : i32
    %scan3A_24 = arith.addi %scan3A, %scan3A_23 : i32
    %scan3A_25 = arith.constant 1 : i32
    scf.for %scan3A_27 = %scan3A to %scan3A_24 step %scan3A_25  : i32 {
      %jit3A = arith.constant 128 : i32
      %div3A = arith.divsi %scan3A_27, %jit3A : i32
      %sign3A = arith.constant 0 : i32
      %sign3A_28 = arith.cmpi sgt, %scan3A_27, %sign3A : i32
      %sign3A_29 = arith.extui %sign3A_28 : i1 to i32
      %sign3A_30 = arith.constant 0 : i32
      %sign3A_31 = arith.cmpi slt, %scan3A_27, %sign3A_30 : i32
      %sign3A_32 = arith.extui %sign3A_31 : i1 to i32
      %sign3A_33 = arith.subi %sign3A_29, %sign3A_32 : i32
      %sign3A_34 = arith.constant 0 : i32
      %sign3A_35 = arith.cmpi sgt, %jit3A, %sign3A_34 : i32
      %sign3A_36 = arith.extui %sign3A_35 : i1 to i32
      %sign3A_37 = arith.constant 0 : i32
      %sign3A_38 = arith.cmpi slt, %jit3A, %sign3A_37 : i32
      %sign3A_39 = arith.extui %sign3A_38 : i1 to i32
      %sign3A_40 = arith.subi %sign3A_36, %sign3A_39 : i32
      %ne3A = arith.cmpi ne, %sign3A_33, %sign3A_40 : i32
      %rem3A = arith.remsi %scan3A_27, %jit3A : i32
      %ne3A_41 = arith.constant 0 : i32
      %ne3A_42 = arith.cmpi ne, %rem3A, %ne3A_41 : i32
      %and3A = arith.andi %ne3A, %ne3A_42 : i1
      %sub3A = arith.constant 1 : i32
      %sub3A_43 = arith.subi %div3A, %sub3A : i32
      %select_n3A = arith.select %and3A, %sub3A_43, %div3A : i32
      %mul3A = arith.constant 128 : i32
      %mul3A_44 = arith.muli %select_n3A, %mul3A : i32
      %sub3A_45 = arith.subi %scan3A_27, %mul3A_44 : i32
      %eq3A = vector.broadcast %sub3A_45 : i32 to vector<1x128xi32>
      %eq3A_46 = arith.cmpi eq, %iota3A, %eq3A : vector<1x128xi32>
      %convert_element_type3A = arith.extui %eq3A_46 : vector<1x128xi1> to vector<1x128xi32>
      %convert_element_type3A_47 = arith.sitofp %convert_element_type3A : vector<1x128xi32> to vector<1x128xf32>
      %get3A = arith.index_cast %select_n3A : i32 to index
      %get3A_48 = arith.constant 0 : index
      %get3A_49 = vector.load %arg1[%get3A, %get3A_48] : memref<391x128xf32, #tpu.memory_space<vmem>>, vector<1x128xf32>
      %mul3A_50 = arith.mulf %get3A_49, %convert_element_type3A_47 : vector<1x128xf32>
      %reduce_sum3A = vector.shape_cast %mul3A_50 : vector<1x128xf32> to vector<1x1x128xf32>
      %reduce_sum3A_51 = arith.constant dense<0.000000e+00> : vector<1xf32>
      %reduce_sum3A_52 = vector.multi_reduction <add>, %reduce_sum3A, %reduce_sum3A_51 [1, 2] : vector<1x1x128xf32> to vector<1xf32>
      %reduce_sum3A_53 = vector.shape_cast %reduce_sum3A_52 : vector<1xf32> to vector<1x1x1xf32>
      %reduce_sum3A_54 = vector.extract %reduce_sum3A_53[0, 0, 0] : f32 from vector<1x1x1xf32>
      %get3A_55 = arith.index_cast %select_n3A : i32 to index
      %get3A_56 = arith.constant 0 : index
      %get3A_57 = vector.load %arg2[%get3A_55, %get3A_56] : memref<391x128xf32, #tpu.memory_space<vmem>>, vector<1x128xf32>
      %mul3A_58 = arith.mulf %get3A_57, %convert_element_type3A_47 : vector<1x128xf32>
      %reduce_sum3A_59 = vector.shape_cast %mul3A_58 : vector<1x128xf32> to vector<1x1x128xf32>
      %reduce_sum3A_60 = arith.constant dense<0.000000e+00> : vector<1xf32>
      %reduce_sum3A_61 = vector.multi_reduction <add>, %reduce_sum3A_59, %reduce_sum3A_60 [1, 2] : vector<1x1x128xf32> to vector<1xf32>
      %reduce_sum3A_62 = vector.shape_cast %reduce_sum3A_61 : vector<1xf32> to vector<1x1x1xf32>
      %reduce_sum3A_63 = vector.extract %reduce_sum3A_62[0, 0, 0] : f32 from vector<1x1x1xf32>
      %get3A_64 = arith.index_cast %select_n3A : i32 to index
      %get3A_65 = arith.constant 0 : index
      %get3A_66 = vector.load %arg3[%get3A_64, %get3A_65] : memref<391x128xf32, #tpu.memory_space<vmem>>, vector<1x128xf32>
      %mul3A_67 = arith.mulf %get3A_66, %convert_element_type3A_47 : vector<1x128xf32>
      %reduce_sum3A_68 = vector.shape_cast %mul3A_67 : vector<1x128xf32> to vector<1x1x128xf32>
      %reduce_sum3A_69 = arith.constant dense<0.000000e+00> : vector<1xf32>
      %reduce_sum3A_70 = vector.multi_reduction <add>, %reduce_sum3A_68, %reduce_sum3A_69 [1, 2] : vector<1x1x128xf32> to vector<1xf32>
      %reduce_sum3A_71 = vector.shape_cast %reduce_sum3A_70 : vector<1xf32> to vector<1x1x1xf32>
      %reduce_sum3A_72 = vector.extract %reduce_sum3A_71[0, 0, 0] : f32 from vector<1x1x1xf32>
      %get3A_73 = arith.index_cast %select_n3A : i32 to index
      %get3A_74 = arith.constant 0 : index
      %get3A_75 = vector.load %arg4[%get3A_73, %get3A_74] : memref<391x128xf32, #tpu.memory_space<vmem>>, vector<1x128xf32>
      %mul3A_76 = arith.mulf %get3A_75, %convert_element_type3A_47 : vector<1x128xf32>
      %reduce_sum3A_77 = vector.shape_cast %mul3A_76 : vector<1x128xf32> to vector<1x1x128xf32>
      %reduce_sum3A_78 = arith.constant dense<0.000000e+00> : vector<1xf32>
      %reduce_sum3A_79 = vector.multi_reduction <add>, %reduce_sum3A_77, %reduce_sum3A_78 [1, 2] : vector<1x1x128xf32> to vector<1xf32>
      %reduce_sum3A_80 = vector.shape_cast %reduce_sum3A_79 : vector<1xf32> to vector<1x1x1xf32>
      %reduce_sum3A_81 = vector.extract %reduce_sum3A_80[0, 0, 0] : f32 from vector<1x1x1xf32>
      %get3A_82 = arith.index_cast %select_n3A : i32 to index
      %get3A_83 = arith.constant 0 : index
      %get3A_84 = vector.load %arg5[%get3A_82, %get3A_83] : memref<391x128xf32, #tpu.memory_space<vmem>>, vector<1x128xf32>
      %mul3A_85 = arith.mulf %get3A_84, %convert_element_type3A_47 : vector<1x128xf32>
      %reduce_sum3A_86 = vector.shape_cast %mul3A_85 : vector<1x128xf32> to vector<1x1x128xf32>
      %reduce_sum3A_87 = arith.constant dense<0.000000e+00> : vector<1xf32>
      %reduce_sum3A_88 = vector.multi_reduction <add>, %reduce_sum3A_86, %reduce_sum3A_87 [1, 2] : vector<1x1x128xf32> to vector<1xf32>
      %reduce_sum3A_89 = vector.shape_cast %reduce_sum3A_88 : vector<1xf32> to vector<1x1x1xf32>
      %reduce_sum3A_90 = vector.extract %reduce_sum3A_89[0, 0, 0] : f32 from vector<1x1x1xf32>
      %get3A_91 = arith.index_cast %select_n3A : i32 to index
      %get3A_92 = arith.constant 0 : index
      %get3A_93 = vector.load %arg0[%get3A_91, %get3A_92] : memref<391x128xf32, #tpu.memory_space<vmem>>, vector<1x128xf32>
      %mul3A_94 = arith.mulf %get3A_93, %convert_element_type3A_47 : vector<1x128xf32>
      %reduce_sum3A_95 = vector.shape_cast %mul3A_94 : vector<1x128xf32> to vector<1x1x128xf32>
      %reduce_sum3A_96 = arith.constant dense<0.000000e+00> : vector<1xf32>
      %reduce_sum3A_97 = vector.multi_reduction <add>, %reduce_sum3A_95, %reduce_sum3A_96 [1, 2] : vector<1x1x128xf32> to vector<1xf32>
      %reduce_sum3A_98 = vector.shape_cast %reduce_sum3A_97 : vector<1xf32> to vector<1x1x1xf32>
      %reduce_sum3A_99 = vector.extract %reduce_sum3A_98[0, 0, 0] : f32 from vector<1x1x1xf32>
      %mul3A_100 = arith.constant 7.812500e-03 : f32
      %mul3A_101 = arith.mulf %reduce_sum3A_99, %mul3A_100 : f32
      %floor3A = math.floor %mul3A_101 : f32
      %mul3A_102 = arith.constant 1.280000e+02 : f32
      %mul3A_103 = arith.mulf %floor3A, %mul3A_102 : f32
      %sub3A_104 = arith.subf %reduce_sum3A_99, %mul3A_103 : f32
      %convert_element_type3A_105 = arith.fptosi %floor3A : f32 to i32
      %convert_element_type3A_106 = arith.fptosi %sub3A_104 : f32 to i32
      %eq3A_107 = vector.broadcast %convert_element_type3A_106 : i32 to vector<1x128xi32>
      %eq3A_108 = arith.cmpi eq, %iota3A, %eq3A_107 : vector<1x128xi32>
      %get3A_109 = arith.index_cast %convert_element_type3A_105 : i32 to index
      %get3A_110 = arith.constant 0 : index
      %get3A_111 = vector.load %arg10[%get3A_109, %get3A_110] : memref<2048x128xf32, #tpu.memory_space<vmem>>, vector<1x128xf32>
      %sub3A_112 = arith.constant 1.000000e+00 : f32
      %sub3A_113 = vector.broadcast %sub3A_112 : f32 to vector<1x128xf32>
      %sub3A_114 = arith.subf %sub3A_113, %get3A_111 : vector<1x128xf32>
      %mul3A_115 = vector.broadcast %reduce_sum3A_54 : f32 to vector<1x128xf32>
      %mul3A_116 = arith.mulf %mul3A_115, %sub3A_114 : vector<1x128xf32>
      %jit3A_117 = arith.constant 0.000000e+00 : f32
      %jit3A_118 = arith.constant 1.000000e+00 : f32
      %max3A = vector.broadcast %jit3A_117 : f32 to vector<1x128xf32>
      %max3A_119 = arith.maximumf %max3A, %mul3A_116 : vector<1x128xf32>
      %min3A = vector.broadcast %jit3A_118 : f32 to vector<1x128xf32>
      %min3A_120 = arith.minimumf %min3A, %max3A_119 : vector<1x128xf32>
      %sub3A_121 = arith.constant 1.000000e+00 : f32
      %sub3A_122 = vector.broadcast %sub3A_121 : f32 to vector<1x128xf32>
      %sub3A_123 = arith.subf %sub3A_122, %min3A_120 : vector<1x128xf32>
      %get3A_124 = arith.index_cast %convert_element_type3A_105 : i32 to index
      %get3A_125 = arith.constant 0 : index
      %get3A_126 = vector.load %arg6[%get3A_124, %get3A_125] : memref<2048x128xf32, #tpu.memory_space<vmem>>, vector<1x128xf32>
      %mul3A_127 = arith.mulf %get3A_126, %sub3A_123 : vector<1x128xf32>
      %mul3A_128 = vector.broadcast %reduce_sum3A_72 : f32 to vector<1x128xf32>
      %mul3A_129 = arith.mulf %mul3A_128, %min3A_120 : vector<1x128xf32>
      %add3A = arith.addf %mul3A_127, %mul3A_129 : vector<1x128xf32>
      %get3A_130 = arith.index_cast %convert_element_type3A_105 : i32 to index
      %get3A_131 = arith.constant 0 : index
      %get3A_132 = vector.load %arg6[%get3A_130, %get3A_131] : memref<2048x128xf32, #tpu.memory_space<vmem>>, vector<1x128xf32>
      %select_n3A_133 = arith.select %eq3A_108, %add3A, %get3A_132 : vector<1x128xi1>, vector<1x128xf32>
      %swap3A_134 = arith.index_cast %convert_element_type3A_105 : i32 to index
      %swap3A_135 = arith.constant 0 : index
      %swap3A_136 = vector.load %arg6[%swap3A_134, %swap3A_135] : memref<2048x128xf32, #tpu.memory_space<vmem>>, vector<1x128xf32>
      tpu.vector_store %arg6[%swap3A_134, %swap3A_135], %select_n3A_133 {strides = array<i32>} : memref<2048x128xf32, #tpu.memory_space<vmem>>, vector<1x128xf32>,
      %get3A_137 = arith.index_cast %convert_element_type3A_105 : i32 to index
      %get3A_138 = arith.constant 0 : index
      %get3A_139 = vector.load %arg7[%get3A_137, %get3A_138] : memref<2048x128xf32, #tpu.memory_space<vmem>>, vector<1x128xf32>
      %mul3A_140 = arith.mulf %get3A_139, %sub3A_123 : vector<1x128xf32>
      %mul3A_141 = vector.broadcast %reduce_sum3A_81 : f32 to vector<1x128xf32>
      %mul3A_142 = arith.mulf %mul3A_141, %min3A_120 : vector<1x128xf32>
      %add3A_143 = arith.addf %mul3A_140, %mul3A_142 : vector<1x128xf32>
      %get3A_144 = arith.index_cast %convert_element_type3A_105 : i32 to index
      %get3A_145 = arith.constant 0 : index
      %get3A_146 = vector.load %arg7[%get3A_144, %get3A_145] : memref<2048x128xf32, #tpu.memory_space<vmem>>, vector<1x128xf32>
      %select_n3A_147 = arith.select %eq3A_108, %add3A_143, %get3A_146 : vector<1x128xi1>, vector<1x128xf32>
      %swap3A_148 = arith.index_cast %convert_element_type3A_105 : i32 to index
      %swap3A_149 = arith.constant 0 : index
      %swap3A_150 = vector.load %arg7[%swap3A_148, %swap3A_149] : memref<2048x128xf32, #tpu.memory_space<vmem>>, vector<1x128xf32>
      tpu.vector_store %arg7[%swap3A_148, %swap3A_149], %select_n3A_147 {strides = array<i32>} : memref<2048x128xf32, #tpu.memory_space<vmem>>, vector<1x128xf32>,
      %get3A_151 = arith.index_cast %convert_element_type3A_105 : i32 to index
      %get3A_152 = arith.constant 0 : index
      %get3A_153 = vector.load %arg8[%get3A_151, %get3A_152] : memref<2048x128xf32, #tpu.memory_space<vmem>>, vector<1x128xf32>
      %mul3A_154 = arith.mulf %get3A_153, %sub3A_123 : vector<1x128xf32>
      %mul3A_155 = vector.broadcast %reduce_sum3A_90 : f32 to vector<1x128xf32>
      %mul3A_156 = arith.mulf %mul3A_155, %min3A_120 : vector<1x128xf32>
      %add3A_157 = arith.addf %mul3A_154, %mul3A_156 : vector<1x128xf32>
      %get3A_158 = arith.index_cast %convert_element_type3A_105 : i32 to index
      %get3A_159 = arith.constant 0 : index
      %get3A_160 = vector.load %arg8[%get3A_158, %get3A_159] : memref<2048x128xf32, #tpu.memory_space<vmem>>, vector<1x128xf32>
      %select_n3A_161 = arith.select %eq3A_108, %add3A_157, %get3A_160 : vector<1x128xi1>, vector<1x128xf32>
      %swap3A_162 = arith.index_cast %convert_element_type3A_105 : i32 to index
      %swap3A_163 = arith.constant 0 : index
      %swap3A_164 = vector.load %arg8[%swap3A_162, %swap3A_163] : memref<2048x128xf32, #tpu.memory_space<vmem>>, vector<1x128xf32>
      tpu.vector_store %arg8[%swap3A_162, %swap3A_163], %select_n3A_161 {strides = array<i32>} : memref<2048x128xf32, #tpu.memory_space<vmem>>, vector<1x128xf32>,
      %add3A_165 = arith.addf %get3A_111, %min3A_120 : vector<1x128xf32>
      %jit3A_166 = arith.constant 0.000000e+00 : f32
      %jit3A_167 = arith.constant 1.000000e+00 : f32
      %max3A_168 = vector.broadcast %jit3A_166 : f32 to vector<1x128xf32>
      %max3A_169 = arith.maximumf %max3A_168, %add3A_165 : vector<1x128xf32>
      %min3A_170 = vector.broadcast %jit3A_167 : f32 to vector<1x128xf32>
      %min3A_171 = arith.minimumf %min3A_170, %max3A_169 : vector<1x128xf32>
      %select_n3A_172 = arith.select %eq3A_108, %min3A_171, %get3A_111 : vector<1x128xi1>, vector<1x128xf32>
      %swap3A_173 = arith.index_cast %convert_element_type3A_105 : i32 to index
      %swap3A_174 = arith.constant 0 : index
      %swap3A_175 = vector.load %arg10[%swap3A_173, %swap3A_174] : memref<2048x128xf32, #tpu.memory_space<vmem>>, vector<1x128xf32>
      tpu.vector_store %arg10[%swap3A_173, %swap3A_174], %select_n3A_172 {strides = array<i32>} : memref<2048x128xf32, #tpu.memory_space<vmem>>, vector<1x128xf32>,
      %get3A_176 = arith.index_cast %convert_element_type3A_105 : i32 to index
      %get3A_177 = arith.constant 0 : index
      %get3A_178 = vector.load %arg9[%get3A_176, %get3A_177] : memref<2048x128xf32, #tpu.memory_space<vmem>>, vector<1x128xf32>
      %gt3A = arith.constant 0.00999999977 : f32
      %gt3A_179 = vector.broadcast %gt3A : f32 to vector<1x128xf32>
      %gt3A_180 = arith.cmpf ogt, %min3A_120, %gt3A_179 : vector<1x128xf32>
      %and3A_181 = arith.andi %eq3A_108, %gt3A_180 : vector<1x128xi1>
      %min3A_182 = vector.broadcast %reduce_sum3A_63 : f32 to vector<1x128xf32>
      %min3A_183 = arith.minimumf %get3A_178, %min3A_182 : vector<1x128xf32>
      %select_n3A_184 = arith.select %and3A_181, %min3A_183, %get3A_178 : vector<1x128xi1>, vector<1x128xf32>
      %swap3A_185 = arith.index_cast %convert_element_type3A_105 : i32 to index
      %swap3A_186 = arith.constant 0 : index
      %swap3A_187 = vector.load %arg9[%swap3A_185, %swap3A_186] : memref<2048x128xf32, #tpu.memory_space<vmem>>, vector<1x128xf32>
      tpu.vector_store %arg9[%swap3A_185, %swap3A_186], %select_n3A_184 {strides = array<i32>} : memref<2048x128xf32, #tpu.memory_space<vmem>>, vector<1x128xf32>,
    }
    %scan3A_26 = arith.constant 50000 : i32
    return
  }
}

</mosaic_0001>

<sc_bundles>
// kernel: gather_offload_async_start.1
scs
__scs_entry_jumppad:
0x0: {  	(pc) =	sbr.rel $0x88, $3  }
0x1: {  	(tag) =	ssettag $0x0;
	lr =	simm.s32 $0x1  }
0x2: {  	[smem:$0x3F9B] =	sst lr;
	_ =	strace $0xD0000000  }
0x3: {  	_ = 	snop  }
0x4: {  	_ = 	snop  }
0x5: {  	_ = 	snop  }
0x6: {  	_ = 	snop  }
0x7: {  	_ = 	snop  }
__scs_overlays_trampoline_lowered:
0x8: {  	[smem:$0x3FAA] =	sst s0  }
0x9: {  	[smem:$0x3FAB] =	sst s1  }
0xa: {  	[smem:$0x3FAC] =	sst s2  }
0xb: {  	[smem:$0x3FAD] =	sst s3  }
0xc: {  	[smem:$0x3FAE] =	sst s4  }
0xd: {  	[smem:$0x3FAF] =	sst s5  }
0xe: {  	[smem:$0x3FB0] =	sst s6  }
0xf: {  	[smem:$0x3FB1] =	sst s7  }
0x10: {  	[smem:$0x3FB2] =	sst s8  }
0x11: {  	[smem:$0x3FB3] =	sst s9;
	s0 =	simm.s32 @!p0 $0x0  }
0x12: {  	s1 =	sld [smem:$0x3F99];
	s0 =	simm.s32 @p0 $0x1  }
0x13: {  	[smem:$0x3FB4] =	sst s0;
	s0 =	simm.s32 @!p1 $0x0  }
0x14: {  	s2 =	sld [smem:$0x3F98];
	s0 =	simm.s32 @p1 $0x1  }
0x15: {  	[smem:$0x3FB5] =	sst s0;
	s0 =	simm.s32 @!p2 $0x0  }
0x16: {  	s3 =	sld [smem:$0x3FDB];
	s0 =	simm.s32 @p2 $0x1  }
0x17: {  	s4 =	simm.s32 $0x1BF5;
	[smem:$0x3FB7] =	sst s0  }
0x18: {  	s0 =	sld [smem:$0x3F9A];
	_ =	swait.ge [sflag:s4], $0x0  }
0x19: {  	s7 =	sld [smem:$0x3F9B]  }
0x1a: {  	s8 =	sadd.s32 $0xFFFFE003, lr  }
0x1b: {  	s9 =	sadd.s32 $0xFFFFFEF7, lr;
	s5 =	simm.s32 $0xFFFFFFFF;
	p2 =	slt.u32 s8, $0xFFFFF086  }
0x1c: {  	p1 =	slt.u32 s9, $0xF7A;
	s5 =	simm.s32 @!p2 $0x0  }
0x1d: {  	s5 =	simm.s32 @p1 $0x1;
	p0 =	seq.s32 s7, s2  }
0x1e: {  	s7 =	smul.u32 @!p0 $0xF7A, s2;
	p2 =	seq.s32 @!p0 s5, $0x0  }
0x1f: {  	s9 =	smul.u32 $0xF7A, s1;
	s8 =	simm.s32 @!p0 $0x1BF5;
	p2 =	por !p2, p0  }
0x20: {  	[sflag:s8] =	ssyncset.s32 @!p0 $0xFFFFF086;
	s6 =	sadd.s32 @!p0 s3, s7;
	s7 =	simm.s32 @!p0 $0x108  }
0x21: {  	s3 =	sadd.s32 s3, s9;
	s6 =	sadd.s32 @!p0 $0x88, s6;
	s7 =	simm.s32 @p2 $0x1082  }
0x22: {  	[simem:s7], [sflag:s8] =	dma.local @!p0 [hbm:s6], $0xF7A  }
0x23: {  	s9 =	sor.u32 $0xD0000000, s2;
	s6 =	simm.s32 $0x108;
	_ =	swait.ge @!p0 [sflag:s8], $0x0  }
0x24: {  	s3 =	sadd.s32 $0x88, s3;
	s6 =	simm.s32 @!p1 $0x1082;
	[sflag:s4] =	ssyncset.s32 $0xFFFFF086  }
0x25: {  	[simem:s6], [sflag:s4] =	dma.local [hbm:s3], $0xF7A  }
0x26: {  	[smem:$0x3F9B] =	sst s1;
	(tag) =	ssettag s2;
	_ =	strace s9  }
0x27: {  	s1 =	sld [smem:$0x3FAB]  }
0x28: {  	s2 =	sld [smem:$0x3FAC]  }
0x29: {  	s4 =	sld [smem:$0x3FAE]  }
0x2a: {  	p0 =	seq.s32 s5, $0x0;
	s5 =	sld [smem:$0x3FAF]  }
0x2b: {  	s6 =	sld [smem:$0x3FB0]  }
0x2c: {  	s7 =	sld [smem:$0x3FB1]  }
0x2d: {  	s3 =	simm.s32 $0x108;
	s8 =	sld [smem:$0x3FB2]  }
0x2e: {  	s3 =	simm.s32 @!p0 $0x1082;
	s9 =	sld [smem:$0x3FB3]  }
0x2f: {  	lr =	sadd.s32 s0, s3;
	s0 =	sld [smem:$0x3FAA]  }
0x30: {  	s3 =	sld [smem:$0x3FAD]  }
0x31: {  	[smem:$0x3FB6] =	sst s10  }
0x32: {  	s10 =	sld [smem:$0x3FB4];
	_ =	sdelay $0x3  }
0x33: {  	p0 =	seq.s32 s10, $0x1;
	s10 =	sld [smem:$0x3FB6];
	_ =	sdelay $0x3  }
0x34: {  	[smem:$0x3FB6] =	sst s10  }
0x35: {  	s10 =	sld [smem:$0x3FB5];
	_ =	sdelay $0x3  }
0x36: {  	p1 =	seq.s32 s10, $0x1;
	s10 =	sld [smem:$0x3FB6];
	_ =	sdelay $0x3  }
0x37: {  	[smem:$0x3FB6] =	sst s10  }
0x38: {  	s10 =	sld [smem:$0x3FB7]  }
0x39: {  	_ = 	snop;
	(pc) =	sbr.ind lr, $3  }
0x3a: {  	_ = 	snop  }
0x3b: {  	_ = 	snop  }
0x3c: {  	p2 =	seq.s32 s10, $0x1;
	s10 =	sld [smem:$0x3FB6]  }
0x3d: {  	_ =	shalt  }
0x3e: {  	_ =	shalt  }
0x3f: {  	_ =	shalt  }
0x40: {  	_ =	shalt  }
0x41: {  	_ =	shalt  }
0x42: {  	_ =	shalt  }
0x43: {  	_ =	shalt  }
0x44: {  	_ =	shalt  }
0x45: {  	_ =	shalt  }
0x46: {  	_ =	shalt  }
0x47: {  	_ =	shalt  }
0x48: {  	_ =	shalt  }
0x49: {  	_ =	shalt  }
0x4a: {  	_ =	shalt  }
0x4b: {  	_ =	shalt  }
0x4c: {  	_ =	shalt  }
0x4d: {  	_ =	shalt  }
0x4e: {  	_ =	shalt  }
0x4f: {  	_ =	shalt  }
0x50: {  	_ =	shalt  }
0x51: {  	_ =	shalt  }
0x52: {  	_ =	shalt  }
0x53: {  	_ =	shalt  }
0x54: {  	_ =	shalt  }
0x55: {  	_ =	shalt  }
0x56: {  	_ =	shalt  }
0x57: {  	_ =	shalt  }
0x58: {  	_ =	shalt  }
0x59: {  	_ =	shalt  }
0x5a: {  	_ =	shalt  }
0x5b: {  	_ =	shalt  }
0x5c: {  	_ =	shalt  }
0x5d: {  	_ =	shalt  }
0x5e: {  	_ =	shalt  }
0x5f: {  	_ =	shalt  }
0x60: {  	_ =	shalt  }
0x61: {  	_ =	shalt  }
0x62: {  	_ =	shalt  }
0x63: {  	_ =	shalt  }
0x64: {  	_ =	shalt  }
0x65: {  	_ =	shalt  }
0x66: {  	_ =	shalt  }
0x67: {  	_ =	shalt  }
0x68: {  	_ =	shalt  }
0x69: {  	_ =	shalt  }
0x6a: {  	_ =	shalt  }
0x6b: {  	_ =	shalt  }
0x6c: {  	_ =	shalt  }
0x6d: {  	_ =	shalt  }
0x6e: {  	_ =	shalt  }
0x6f: {  	_ =	shalt  }
0x70: {  	_ =	shalt  }
0x71: {  	_ =	shalt  }
0x72: {  	_ =	shalt  }
0x73: {  	_ =	shalt  }
0x74: {  	_ =	shalt  }
0x75: {  	_ =	shalt  }
0x76: {  	_ =	shalt  }
0x77: {  	_ =	shalt  }
0x78: {  	_ =	shalt  }
0x79: {  	_ =	shalt  }
0x7a: {  	_ =	shalt  }
0x7b: {  	_ =	shalt  }
0x7c: {  	_ =	shalt  }
0x7d: {  	_ =	shalt  }
0x7e: {  	_ =	shalt  }
0x7f: {  	_ =	shalt  }
0x80: {  	_ =	shalt  }
0x81: {  	_ =	shalt  }
0x82: {  	_ =	shalt  }
0x83: {  	_ =	shalt  }
0x84: {  	_ =	shalt  }
0x85: {  	_ =	shalt  }
0x86: {  	_ =	shalt  }
0x87: {  	_ =	shalt  }
.Lfunc_end0:
.L_simem_size_0:
called_computation.1_lowered:
.L_overlay_start_0:
0x88: {  	s0 =	sld [smem:$0x3FD9]  }
0x89: {  	s1 =	sld [smem:$0x3FFE];
	_ =	sdelay $0x3  }
0x8a: {  	s0 =	sadd.s32 s1, s0  }
0x8b: {  	[smem:$0x3FC2] =	sst s0  }
0x8c: {  	_ = 	snop  }
0x8d: {  	s0 =	sld [smem:$0x3FD0];
	_ =	sdelay $0x2  }
0x8e: {  	s13 =	simm.s32 $0xC;
	s2 =	simm.s32 $0x10  }
0x8f: {  	[smem:s2], [sflag:s13] =	dma.local [hbm:s0], $0x1  }
0x90: {  	_ =	swait.eq [sflag:s13], $0x1  }
0x91: {  	[sflag:s13] =	ssyncset.done $0x0  }
0x92: {  	[sflag:s13] =	ssyncadd.s32 $0xFFFFFFFF  }
0x93: {  	s14 =	sld [smem:$0x11];
	(tm) =	ssettm $0x1  }
0x94: {  	s15 =	sld [smem:$0x3FFB];
	_ =	sdelay $0x3  }
0x95: {  	_ =	strace s15  }
0x96: {  	s1 =	sld [smem:$0x3FFC];
	_ =	sdelay $0x3  }
0x97: {  	_ =	strace s1  }
0x98: {  	s1 =	sld [smem:$0x3FFD];
	_ =	sdelay $0x3  }
0x99: {  	_ =	strace s1  }
0x9a: {  	_ =	strace $0x8FFFFFFF  }
0x9b: {  	s16 =	sld [smem:$0x3FDB];
	_ =	sdelay $0x1  }
0x9c: {  	s17 =	simm.s32 $_scs_section_size  }
0x9d: {  	s3 =	simm.s32 $_size__tile_overlayer_lowered;
	s4 =	simm.s32 $_tile_overlayer_lowered  }
0x9e: {  	s20 =	simm.s32 $0x1BFF;
	s19 =	sshll.u32 s4, $0x1;
	s1 =	sadd.s32 s17, s16  }
0x9f: {  	s5 =	simm.s32 $0x0;
	s18 =	sshll.u32 s3, $0x1;
	s3 =	sadd.s32 s19, s1  }
0xa0: {  	[timem:s5], [sflag:s20] =	dma.local [hbm:s3], s18  }
0xa1: {  	_ =	swait.ge [sflag:s20], s18  }
0xa2: {  	s2 =	ssub.s32 $0x0, s18;
	[sflag:s20] =	ssyncset.done $0x0  }
0xa3: {  	[sflag:s20] =	ssyncadd.s32 s2;
	_ =	sdelay $0x1  }
0xa4: {  	s21 =	simm.s32 $0x1B8B  }
0xa5: {  	_ =	swait.ge [sflag:s21], $0x1  }
0xa6: {  	[sflag:s21] =	ssyncset.done $0x0  }
0xa7: {  	s23 =	simm.s32 $0x1B8E;
	s22 =	sld [smem:$0x3FFE];
	[sflag:s21] =	ssyncadd.s32 $0xFFFFFFFF  }
0xa8: {  	s24 =	simm.s32 $execute0_lowered;
	[smem:$0x3FD2] =	sst s23  }
0xa9: {  	s3 =	sshll.u32 s24, $0x1;
	_ =	strace $0x8000004F;
	[dreg:$0x1] =	wrdreg $0xFFFFFFFF  }
0xaa: {  	s25 =	simm.s32 $_size_execute0_lowered;
	s1 =	sadd.s32 s1, s3;
	[dreg:$0x0] =	wrdreg $0x0  }
0xab: {  	s3 =	sshll.u32 s25, $0x1;
	[dreg:$0x2] =	wrdreg s1  }
0xac: {  	[dreg:$0x3] =	wrdreg s3  }
0xad: {  	[dreg:$0x4] =	wrdreg $0xC0  }
0xae: {  	_ =	task [dreg:s5], $0x5FFFF  }
0xaf: {  	[dreg:$0x1] =	wrdreg $0xFFFFFFFF  }
0xb0: {  	[dreg:$0x0] =	wrdreg $0x60  }
0xb1: {  	[dreg:$0x2] =	wrdreg s22  }
0xb2: {  	[dreg:$0x3] =	wrdreg s14  }
0xb3: {  	[dreg:$0x4] =	wrdreg $0x9  }
0xb4: {  	_ =	task.clear_ibuf [dreg:s5], $0x5FFFF;
	_ =	strace $0x9000004F  }
0xb5: {  	s26 =	simm.s32 $0x9;
	_ =	strace $0x80000051  }
0xb6: {  	_ =	swait.ge [sflag:s26], $0x1  }
0xb7: {  	[sflag:s26] =	ssyncadd.s32 $0xFFFFFFFF  }
0xb8: {  	_ =	strace $0x90000051  }
0xb9: {  	_ =	sfence  }
0xba: {  	s28 =	sld [smem:$0x0];
	_ =	sdelay $0x1  }
0xbb: {  	s29 =	srdreg.scid  }
0xbc: {  	s30 =	sshll.u32 s29, $0xD;
	s31 =	sshrl.u32 s29, $0x2  }
0xbd: {  	s2 =	sand.u32 $0x4000, s30;
	s1 =	sand.u32 $0x1, s29;
	s0 =	sadd.s32 s31, s28  }
0xbe: {  	s1 =	sor.u32 s2, s1;
	s0 =	sshll.u32 s0, $0x11  }
0xbf: {  	s0 =	sor.u32 s0, s1  }
0xc0: {  	s0 =	sadd.s32 $0x8F2B, s0  }
0xc1: {  	[sflag:s0] =	ssyncadd.remote.s32 $0x1  }
0xc2: {  	_ =	sfence.sel $0xFFFF  }
0xc3: {  	[dreg:$0x0] =	wrdreg $0xFFFFFFFF;
	(pc) =	sbr.abs _section_cstart, $3  }
0xc4: {  	[dreg:$0x1] =	wrdreg $0xFFFFFFFF  }
0xc5: {  	_ =	task.clear_ibuf [dreg:s5], $0x2FFFF;
	_ =	strace $0x9FFFFFFF  }
0xc6: {  	(tm) =	ssettm $0x7FFFFFFF  }
0xc7: {  	_ =	shalt  }
tec
execute0_lowered:
.L_overlay_start_1:
0x0: {  	(tag) =	ssettag $0x1  }
0x1: {  	s2 =	rddreg [dreg:$0x0]  }
0x2: {  	s3 =	rddreg [dreg:$0x1]  }
0x3: {  	s0 =	rddreg [dreg:$0x2];
	_ =	strace $0x80000050;
	s4 =	simm.s32 $0x1  }
0x4: {  	s1 =	stileid.u32;
	s7 =	simm.s32 $0x1;
	s8 =	simm.s32 $0x1  }
0x5: {  	s6 =	simm.s32 $0x2;
	s9 =	simm.s32 $0x3;
	s10 =	simm.s32 $0x0  }
.Ltmp0:
0x6: {  	s13 =	simm.s32 $0x0;
	p0 =	slt.u32 s1, $0xA;
	(pc) =	sbr.rel .LBB2_1-.Ltmp0, $4  }
0x7: {  	[sflag:s4] =	ssyncpa.u1 $0x0;
	s7 =	simm.s32 @!p0 $0x0;
	p0 =	sne.s32 s1, $0x9  }
0x8: {  	s5 =	smul.u32 $0x7D0, s1;
	[sflag:s6] =	ssyncpa.u1 $0x0;
	s8 =	simm.s32 @!p0 $0x0  }
0x9: {  	s12 =	simm.s32 $0x0;
	[sflag:s9] =	ssyncpa.u1 $0x0;
	s7 =	sadd.s32 s8, s7  }
0xa: {  	vm0 =	vmmov $0xffff;
	s11 =	smov.u32 s5;
	s8 =	sadd.s32 $0x6800, s2;
	s9 =	sadd.s32 $0x1, s7  }
.LBB2_4:
0xb: {  	v2 =	vnsel vm1, $0x0, v2  }
0xc: {  	vm1 =	vgt.s32 v0, $0x0;
	v2 =	vmin.u32 v2, $0xC34F  }
0xd: {  	v0 =	vnsel vm1, $0x0, v0  }
0xe: {  	v0 =	vmin.u32 v0, $0xC34F  }
0xf: {  	[tilespmem:s18], [sflag:$0x1] =	stream.indirect_vreg.gather [hbm4b:s2+s10], $0x1, v1, vm0, $0x4038;
	[tilespmem:$0x1F40] =	vst v63  }
0x10: {  	(ifvalue) =	ssetifvalue $0x7FFFFFFF  }
0x11: {  	[tilespmem:s15], [sflag:$0x1] =	stream.indirect_vreg.gather [hbm4b:s2+s10], $0x1, v2, vm0, $0x4038;
	[tilespmem:$0x1F40] =	vst v63  }
0x12: {  	s29 =	sadd.s32 $0x10, s15;
	(ifvalue) =	ssetifvalue $0x7FFFFFFF  }
0x13: {  	[tilespmem:s29], [sflag:$0x1] =	stream.indirect_vreg.gather [hbm4b:s2+s10], $0x1, v0, vm0, $0x4038;
	[tilespmem:$0x1F40] =	vst v63  }
0x14: {  	_ =	swait.ge [sflag:s4], $0x7D0  }
0x15: {  	s30 =	sshrl.u32 s13, $0x3;
	[sflag:s4] =	ssyncset.done $0x0  }
0x16: {  	s31 =	sand.u32 $0x7, s13;
	s15 =	sadd.s32 s8, s30;
	[sflag:s4] =	ssyncadd.s32 $0xFFFFF830  }
0x17: {  	[hbm4b:s15+s31] =	stream.linear.scatter [tilespmem:s14], [sflag:$0x3], $0x7D0, $0x38;
	[tilespmem:$0x1F40] =	vst v63  }
.LBB2_5:
0x18: {  	s15 =	sadd.s32 $0x7D00, s11  }
0x19: {  	p1 =	sgt.s32 s15, $0xC34F  }
0x1a: {  	s15 =	smov.u32 @p1 s5;
	p1 =	sne.s32 s12, s9  }
.Ltmp1:
0x1b: {  	p0 =	slt.u32 s12, $0x2;
	(pc) =	sbr.rel @!p1 .LBB2_6-.Ltmp1, $4  }
0x1c: {  	s14 =	simm.s32 @!p0 $0x3  }
0x1d: {  	_ =	swait.ge @!p0 [sflag:s14], $0x7D0  }
0x1e: {  	s16 =	sadd.s32 $0x1, s12;
	s13 =	smov.u32 s11;
	[sflag:s14] =	ssyncset.done @!p0 $0x0  }
0x1f: {  	s12 =	smov.u32 s16;
	s11 =	smov.u32 s15;
	[sflag:s14] =	ssyncadd.s32 @!p0 $0xFFFFF830  }
.LBB2_1:
0x20: {  	p0 =	sge.u32 s12, s7  }
0x21: {  	s14 =	sxor.u32 @!p0 $0x1, s12  }
0x22: {  	s14 =	smul.u32 @!p0 $0x1F40, s14  }
0x23: {  	s31 =	sadd.s32 $0xFFFFFFFF, s12;
	s15 =	sshrl.u32 @!p0 s11, $0x3  }
0x24: {  	s16 =	sand.u32 @!p0 $0x7, s11;
	s15 =	sadd.s32 @!p0 s3, s15;
	s14 =	sshra.s32 @!p0 s14, $0x2  }
0x25: {  	[tilespmem:s14], [sflag:$0x2] =	stream.linear.gather @!p0 [hbm4b:s15+s16], $0x7D0, $0x38;
	[tilespmem:$0x1F40] =	vst v63  }
0x26: {  	p0 =	sge.u32 s31, s7  }
.Ltmp2:
0x27: {  	_ = 	snop;
	(pc) =	sbr.rel @p0 .LBB2_5-.Ltmp2, $1  }
0x28: {  	_ =	sdelay $0x3  }
0x29: {  	s14 =	sand.u32 $0x1, s12  }
0x2a: {  	_ =	swait.ge [sflag:s6], $0x7D0;
	p0 =	seq.s32 s14, $0x1;
	s14 =	simm.s32 $0x7D0  }
0x2b: {  	[sflag:s6] =	ssyncset.done $0x0;
	s14 =	simm.s32 @!p0 $0x0  }
0x2c: {  	[sflag:s6] =	ssyncadd.s32 $0xFFFFF830;
	(ifvalue) =	ssetifvalue $0x7FFFFFFF;
	v0 =	vld.msk [tilespmem:s14+$0x0 ss:$0x1], $0xffff;
	_ =	sdelay $0x4  }
0x2d: {  	s15 =	sadd.s32 $0x10, s14;
	vm1 =	vgt.s32 v0, $0x0  }
0x2e: {  	v2 =	vld.msk [tilespmem:s15+$0x0 ss:$0x1], $0xffff;
	v1 =	vnsel vm1, $0x0, v0  }
0x2f: {  	v1 =	vmin.u32 v1, $0xC34F;
	_ =	sdelay $0x2  }
0x30: {  	s17 =	simm.s32 $0x20;
	s14 =	sadd.s32 $0xFA0, s14;
	s16 =	sadd.s32 $0x10, s15  }
0x31: {  	s15 =	sadd.s32 $0x10, s14;
	s18 =	smov.u32 s14;
	v0 =	vld.msk [tilespmem:s16+$0x0 ss:$0x1], $0xffff;
	vm1 =	vgt.s32 v2, $0x0;
	(ifvalue) =	ssetifvalue $0x7FFFFFFF  }
.LBB2_3:
0x32: {  	[tilespmem:s18], [sflag:$0x1] =	stream.indirect_vreg.gather [hbm4b:s2+s10], $0x1, v1, vm0, $0x4038;
	[tilespmem:$0x1F40] =	vst v63  }
0x33: {  	s17 =	sadd.s32 $0x10, s17  }
0x34: {  	v2 =	vnsel vm1, $0x0, v2;
	p0 =	slt.u32 s17, $0x7C0  }
.Ltmp3:
0x35: {  	s18 =	smov.u32 s15;
	v1 =	vmin.u32 v2, $0xC34F;
	(pc) =	sbr.rel @p0 .LBB2_3-.Ltmp3, $3  }
0x36: {  	_ =	sdelay $0x1  }
0x37: {  	s16 =	sadd.s32 $0x10, s16  }
0x38: {  	vm1 =	vgt.s32 v0, $0x0;
	s15 =	sadd.s32 $0x10, s15;
	v2 =	vmov v0;
	(ifvalue) =	ssetifvalue $0x7FFFFFFF;
	v0 =	vld.msk [tilespmem:s16+$0x0 ss:$0x1], $0xffff  }
.Ltmp4:
0x39: {  	_ = 	snop;
	(pc) =	sbr.rel .LBB2_4-.Ltmp4, $1  }
0x3a: {  	_ =	sdelay $0x3  }
.LBB2_6:
0x3b: {  	_ =	sfence.sel $0x180000  }
0x3c: {  	s2 =	simm.s32 $0x2;
	[bflag:$0x0] =	sbarrier.arrive $0xFFFF  }
0x3d: {  	s30 =	simm.s32 $0x3;
	[sflag:s2] =	ssyncpa.u1 $0x1  }
0x3e: {  	s31 =	simm.s32 $0x1;
	[sflag:s30] =	ssyncpa.u1 $0x1  }
0x3f: {  	[sflag:s31] =	ssyncpa.u1 $0x1  }
0x40: {  	p0 =	sne.s32 s1, $0x0;
	_ =	strace $0x90000050  }
0x41: {  	s0 =	sadd.s32 @!p0 $0x100000, s0;
	[bflag:$0x2] =	sbarrier.arrive $0xFFFF  }
0x42: {  	[sflag:s0] =	ssyncadd.tile.s32 @!p0 $0x1;
	_ =	shalt  }
.Lfunc_end2:
_tile_overlayer_lowered:
.L_overlay_start_2:
0x43: {  	(tag) =	ssettag $0x2  }
0x44: {  	s0 =	rddreg [dreg:$0x0];
	s2 =	stileid.u32  }
0x45: {  	s1 =	rddreg [dreg:$0x1];
	p0 =	sne.s32 s2, $0x0  }
0x46: {  	s3 =	rddreg [dreg:$0x2];
	[bflag:$0x3] =	sbarrier.arrive $0xFFFF;
	s2 =	simm.s32 @!p0 $0x1C01  }
0x47: {  	[timem:s3], [sflag:s2] =	dma.local @!p0 [hbm:s0], s1  }
0x48: {  	s0 =	simm.s32 @!p0 $0x1  }
0x49: {  	_ =	swait.ge @!p0 [sflag:s0], s1  }
0x4a: {  	s1 =	ssub.s32 @!p0 $0x0, s1;
	[sflag:s0] =	ssyncset.done @!p0 $0x0  }
0x4b: {  	[sflag:s0] =	ssyncadd.s32 @!p0 s1  }
0x4c: {  	[bflag:$0x3] =	sbarrier.arrive $0xFFFF  }
0x4d: {  	_ =	shalt  }

// kernel: gather_offload_async_start.2
scs
__scs_entry_jumppad:
0x0: {  	(pc) =	sbr.rel $0x88, $3  }
0x1: {  	(tag) =	ssettag $0x0;
	lr =	simm.s32 $0x1  }
0x2: {  	[smem:$0x3F9B] =	sst lr;
	_ =	strace $0xD0000000  }
0x3: {  	_ = 	snop  }
0x4: {  	_ = 	snop  }
0x5: {  	_ = 	snop  }
0x6: {  	_ = 	snop  }
0x7: {  	_ = 	snop  }
__scs_overlays_trampoline_lowered:
0x8: {  	[smem:$0x3FAA] =	sst s0  }
0x9: {  	[smem:$0x3FAB] =	sst s1  }
0xa: {  	[smem:$0x3FAC] =	sst s2  }
0xb: {  	[smem:$0x3FAD] =	sst s3  }
0xc: {  	[smem:$0x3FAE] =	sst s4  }
0xd: {  	[smem:$0x3FAF] =	sst s5  }
0xe: {  	[smem:$0x3FB0] =	sst s6  }
0xf: {  	[smem:$0x3FB1] =	sst s7  }
0x10: {  	[smem:$0x3FB2] =	sst s8  }
0x11: {  	[smem:$0x3FB3] =	sst s9;
	s0 =	simm.s32 @!p0 $0x0  }
0x12: {  	s1 =	sld [smem:$0x3F99];
	s0 =	simm.s32 @p0 $0x1  }
0x13: {  	[smem:$0x3FB4] =	sst s0;
	s0 =	simm.s32 @!p1 $0x0  }
0x14: {  	s2 =	sld [smem:$0x3F98];
	s0 =	simm.s32 @p1 $0x1  }
0x15: {  	[smem:$0x3FB5] =	sst s0;
	s0 =	simm.s32 @!p2 $0x0  }
0x16: {  	s3 =	sld [smem:$0x3FDB];
	s0 =	simm.s32 @p2 $0x1  }
0x17: {  	s4 =	simm.s32 $0x1BF5;
	[smem:$0x3FB7] =	sst s0  }
0x18: {  	s0 =	sld [smem:$0x3F9A];
	_ =	swait.ge [sflag:s4], $0x0  }
0x19: {  	s7 =	sld [smem:$0x3F9B]  }
0x1a: {  	s8 =	sadd.s32 $0xFFFFE003, lr  }
0x1b: {  	s9 =	sadd.s32 $0xFFFFFEF7, lr;
	s5 =	simm.s32 $0xFFFFFFFF;
	p2 =	slt.u32 s8, $0xFFFFF086  }
0x1c: {  	p1 =	slt.u32 s9, $0xF7A;
	s5 =	simm.s32 @!p2 $0x0  }
0x1d: {  	s5 =	simm.s32 @p1 $0x1;
	p0 =	seq.s32 s7, s2  }
0x1e: {  	s7 =	smul.u32 @!p0 $0xF7A, s2;
	p2 =	seq.s32 @!p0 s5, $0x0  }
0x1f: {  	s9 =	smul.u32 $0xF7A, s1;
	s8 =	simm.s32 @!p0 $0x1BF5;
	p2 =	por !p2, p0  }
0x20: {  	[sflag:s8] =	ssyncset.s32 @!p0 $0xFFFFF086;
	s6 =	sadd.s32 @!p0 s3, s7;
	s7 =	simm.s32 @!p0 $0x108  }
0x21: {  	s3 =	sadd.s32 s3, s9;
	s6 =	sadd.s32 @!p0 $0x88, s6;
	s7 =	simm.s32 @p2 $0x1082  }
0x22: {  	[simem:s7], [sflag:s8] =	dma.local @!p0 [hbm:s6], $0xF7A  }
0x23: {  	s9 =	sor.u32 $0xD0000000, s2;
	s6 =	simm.s32 $0x108;
	_ =	swait.ge @!p0 [sflag:s8], $0x0  }
0x24: {  	s3 =	sadd.s32 $0x88, s3;
	s6 =	simm.s32 @!p1 $0x1082;
	[sflag:s4] =	ssyncset.s32 $0xFFFFF086  }
0x25: {  	[simem:s6], [sflag:s4] =	dma.local [hbm:s3], $0xF7A  }
0x26: {  	[smem:$0x3F9B] =	sst s1;
	(tag) =	ssettag s2;
	_ =	strace s9  }
0x27: {  	s1 =	sld [smem:$0x3FAB]  }
0x28: {  	s2 =	sld [smem:$0x3FAC]  }
0x29: {  	s4 =	sld [smem:$0x3FAE]  }
0x2a: {  	p0 =	seq.s32 s5, $0x0;
	s5 =	sld [smem:$0x3FAF]  }
0x2b: {  	s6 =	sld [smem:$0x3FB0]  }
0x2c: {  	s7 =	sld [smem:$0x3FB1]  }
0x2d: {  	s3 =	simm.s32 $0x108;
	s8 =	sld [smem:$0x3FB2]  }
0x2e: {  	s3 =	simm.s32 @!p0 $0x1082;
	s9 =	sld [smem:$0x3FB3]  }
0x2f: {  	lr =	sadd.s32 s0, s3;
	s0 =	sld [smem:$0x3FAA]  }
0x30: {  	s3 =	sld [smem:$0x3FAD]  }
0x31: {  	[smem:$0x3FB6] =	sst s10  }
0x32: {  	s10 =	sld [smem:$0x3FB4];
	_ =	sdelay $0x3  }
0x33: {  	p0 =	seq.s32 s10, $0x1;
	s10 =	sld [smem:$0x3FB6];
	_ =	sdelay $0x3  }
0x34: {  	[smem:$0x3FB6] =	sst s10  }
0x35: {  	s10 =	sld [smem:$0x3FB5];
	_ =	sdelay $0x3  }
0x36: {  	p1 =	seq.s32 s10, $0x1;
	s10 =	sld [smem:$0x3FB6];
	_ =	sdelay $0x3  }
0x37: {  	[smem:$0x3FB6] =	sst s10  }
0x38: {  	s10 =	sld [smem:$0x3FB7]  }
0x39: {  	_ = 	snop;
	(pc) =	sbr.ind lr, $3  }
0x3a: {  	_ = 	snop  }
0x3b: {  	_ = 	snop  }
0x3c: {  	p2 =	seq.s32 s10, $0x1;
	s10 =	sld [smem:$0x3FB6]  }
0x3d: {  	_ =	shalt  }
0x3e: {  	_ =	shalt  }
0x3f: {  	_ =	shalt  }
0x40: {  	_ =	shalt  }
0x41: {  	_ =	shalt  }
0x42: {  	_ =	shalt  }
0x43: {  	_ =	shalt  }
0x44: {  	_ =	shalt  }
0x45: {  	_ =	shalt  }
0x46: {  	_ =	shalt  }
0x47: {  	_ =	shalt  }
0x48: {  	_ =	shalt  }
0x49: {  	_ =	shalt  }
0x4a: {  	_ =	shalt  }
0x4b: {  	_ =	shalt  }
0x4c: {  	_ =	shalt  }
0x4d: {  	_ =	shalt  }
0x4e: {  	_ =	shalt  }
0x4f: {  	_ =	shalt  }
0x50: {  	_ =	shalt  }
0x51: {  	_ =	shalt  }
0x52: {  	_ =	shalt  }
0x53: {  	_ =	shalt  }
0x54: {  	_ =	shalt  }
0x55: {  	_ =	shalt  }
0x56: {  	_ =	shalt  }
0x57: {  	_ =	shalt  }
0x58: {  	_ =	shalt  }
0x59: {  	_ =	shalt  }
0x5a: {  	_ =	shalt  }
0x5b: {  	_ =	shalt  }
0x5c: {  	_ =	shalt  }
0x5d: {  	_ =	shalt  }
0x5e: {  	_ =	shalt  }
0x5f: {  	_ =	shalt  }
0x60: {  	_ =	shalt  }
0x61: {  	_ =	shalt  }
0x62: {  	_ =	shalt  }
0x63: {  	_ =	shalt  }
0x64: {  	_ =	shalt  }
0x65: {  	_ =	shalt  }
0x66: {  	_ =	shalt  }
0x67: {  	_ =	shalt  }
0x68: {  	_ =	shalt  }
0x69: {  	_ =	shalt  }
0x6a: {  	_ =	shalt  }
0x6b: {  	_ =	shalt  }
0x6c: {  	_ =	shalt  }
0x6d: {  	_ =	shalt  }
0x6e: {  	_ =	shalt  }
0x6f: {  	_ =	shalt  }
0x70: {  	_ =	shalt  }
0x71: {  	_ =	shalt  }
0x72: {  	_ =	shalt  }
0x73: {  	_ =	shalt  }
0x74: {  	_ =	shalt  }
0x75: {  	_ =	shalt  }
0x76: {  	_ =	shalt  }
0x77: {  	_ =	shalt  }
0x78: {  	_ =	shalt  }
0x79: {  	_ =	shalt  }
0x7a: {  	_ =	shalt  }
0x7b: {  	_ =	shalt  }
0x7c: {  	_ =	shalt  }
0x7d: {  	_ =	shalt  }
0x7e: {  	_ =	shalt  }
0x7f: {  	_ =	shalt  }
0x80: {  	_ =	shalt  }
0x81: {  	_ =	shalt  }
0x82: {  	_ =	shalt  }
0x83: {  	_ =	shalt  }
0x84: {  	_ =	shalt  }
0x85: {  	_ =	shalt  }
0x86: {  	_ =	shalt  }
0x87: {  	_ =	shalt  }
.Lfunc_end0:
.L_simem_size_0:
called_computation.2_lowered:
.L_overlay_start_0:
0x88: {  	s0 =	sld [smem:$0x3FD9]  }
0x89: {  	s1 =	sld [smem:$0x3FFE];
	_ =	sdelay $0x3  }
0x8a: {  	s0 =	sadd.s32 s1, s0  }
0x8b: {  	[smem:$0x3FC2] =	sst s0  }
0x8c: {  	_ = 	snop  }
0x8d: {  	s0 =	sld [smem:$0x3FD0];
	_ =	sdelay $0x2  }
0x8e: {  	s13 =	simm.s32 $0xC;
	s2 =	simm.s32 $0x10  }
0x8f: {  	[smem:s2], [sflag:s13] =	dma.local [hbm:s0], $0x1  }
0x90: {  	_ =	swait.eq [sflag:s13], $0x1  }
0x91: {  	[sflag:s13] =	ssyncset.done $0x0  }
0x92: {  	s14 =	sld [smem:$0x11];
	[sflag:s13] =	ssyncadd.s32 $0xFFFFFFFF  }
0x93: {  	s15 =	sld [smem:$0x12];
	(tm) =	ssettm $0x1  }
0x94: {  	s16 =	sld [smem:$0x3FFB];
	_ =	sdelay $0x3  }
0x95: {  	_ =	strace s16  }
0x96: {  	s2 =	sld [smem:$0x3FFC];
	_ =	sdelay $0x3  }
0x97: {  	_ =	strace s2  }
0x98: {  	s2 =	sld [smem:$0x3FFD];
	_ =	sdelay $0x3  }
0x99: {  	_ =	strace s2  }
0x9a: {  	_ =	strace $0x8FFFFFFF  }
0x9b: {  	s17 =	sld [smem:$0x3FDB];
	_ =	sdelay $0x1  }
0x9c: {  	s3 =	simm.s32 $_scs_section_size  }
0x9d: {  	s4 =	simm.s32 $_size__tile_overlayer_lowered;
	s5 =	simm.s32 $_tile_overlayer_lowered  }
0x9e: {  	s20 =	simm.s32 $0x1BFF;
	s19 =	sshll.u32 s5, $0x1;
	s2 =	sadd.s32 s3, s17  }
0x9f: {  	s6 =	simm.s32 $0x0;
	s18 =	sshll.u32 s4, $0x1;
	s4 =	sadd.s32 s19, s2  }
0xa0: {  	[timem:s6], [sflag:s20] =	dma.local [hbm:s4], s18  }
0xa1: {  	_ =	swait.ge [sflag:s20], s18  }
0xa2: {  	s3 =	ssub.s32 $0x0, s18;
	[sflag:s20] =	ssyncset.done $0x0  }
0xa3: {  	[sflag:s20] =	ssyncadd.s32 s3;
	_ =	sdelay $0x1  }
0xa4: {  	s21 =	simm.s32 $0x1B8B  }
0xa5: {  	_ =	swait.ge [sflag:s21], $0x1  }
0xa6: {  	[sflag:s21] =	ssyncset.done $0x0  }
0xa7: {  	s23 =	simm.s32 $0x1B8E;
	s22 =	sld [smem:$0x3FFE];
	[sflag:s21] =	ssyncadd.s32 $0xFFFFFFFF  }
0xa8: {  	s24 =	simm.s32 $execute0_lowered;
	[smem:$0x3FD2] =	sst s23  }
0xa9: {  	s4 =	sshll.u32 s24, $0x1;
	_ =	strace $0x80000049;
	[dreg:$0x1] =	wrdreg $0xFFFFFFFF  }
0xaa: {  	s25 =	simm.s32 $_size_execute0_lowered;
	s2 =	sadd.s32 s2, s4;
	[dreg:$0x0] =	wrdreg $0x0  }
0xab: {  	s4 =	sshll.u32 s25, $0x1;
	[dreg:$0x2] =	wrdreg s2  }
0xac: {  	[dreg:$0x3] =	wrdreg s4  }
0xad: {  	[dreg:$0x4] =	wrdreg $0xC0  }
0xae: {  	_ =	task [dreg:s6], $0x5FFFF  }
0xaf: {  	[dreg:$0x1] =	wrdreg $0xFFFFFFFF  }
0xb0: {  	[dreg:$0x0] =	wrdreg $0x60  }
0xb1: {  	[dreg:$0x2] =	wrdreg s15  }
0xb2: {  	[dreg:$0x3] =	wrdreg s14  }
0xb3: {  	[dreg:$0x4] =	wrdreg s22  }
0xb4: {  	[dreg:$0x5] =	wrdreg $0xA  }
0xb5: {  	_ =	task.clear_ibuf [dreg:s6], $0x6FFFF;
	_ =	strace $0x90000049  }
0xb6: {  	s26 =	simm.s32 $0xA;
	_ =	strace $0x8000004B  }
0xb7: {  	_ =	swait.ge [sflag:s26], $0x1  }
0xb8: {  	[sflag:s26] =	ssyncadd.s32 $0xFFFFFFFF  }
0xb9: {  	_ =	strace $0x9000004B  }
0xba: {  	_ =	sfence  }
0xbb: {  	s28 =	sld [smem:$0x0];
	_ =	sdelay $0x1  }
0xbc: {  	s29 =	srdreg.scid  }
0xbd: {  	s30 =	sshll.u32 s29, $0xD;
	s31 =	sshrl.u32 s29, $0x2  }
0xbe: {  	s1 =	sand.u32 $0x1, s29;
	s2 =	sand.u32 $0x4000, s30;
	s0 =	sadd.s32 s31, s28  }
0xbf: {  	s1 =	sor.u32 s2, s1;
	s0 =	sshll.u32 s0, $0x11  }
0xc0: {  	s0 =	sor.u32 s0, s1  }
0xc1: {  	s0 =	sadd.s32 $0x8F2B, s0  }
0xc2: {  	[sflag:s0] =	ssyncadd.remote.s32 $0x1  }
0xc3: {  	_ =	sfence.sel $0xFFFF  }
0xc4: {  	[dreg:$0x0] =	wrdreg $0xFFFFFFFF;
	(pc) =	sbr.abs _section_cstart, $3  }
0xc5: {  	[dreg:$0x1] =	wrdreg $0xFFFFFFFF  }
0xc6: {  	_ =	task.clear_ibuf [dreg:s6], $0x2FFFF;
	_ =	strace $0x9FFFFFFF  }
0xc7: {  	(tm) =	ssettm $0x7FFFFFFF  }
tec
execute0_lowered:
.L_overlay_start_1:
0x0: {  	(tag) =	ssettag $0x1  }
0x1: {  	s2 =	rddreg [dreg:$0x0]  }
0x2: {  	s3 =	rddreg [dreg:$0x1]  }
0x3: {  	s8 =	rddreg [dreg:$0x2]  }
0x4: {  	s0 =	rddreg [dreg:$0x3];
	_ =	strace $0x8000004A;
	s4 =	simm.s32 $0x1  }
0x5: {  	s1 =	stileid.u32;
	s7 =	simm.s32 $0x1;
	s9 =	simm.s32 $0x1  }
0x6: {  	s6 =	simm.s32 $0x2;
	s10 =	simm.s32 $0x3;
	s13 =	simm.s32 $0x0  }
.Ltmp0:
0x7: {  	s12 =	simm.s32 $0x0;
	p0 =	slt.u32 s1, $0xA;
	(pc) =	sbr.rel .LBB2_1-.Ltmp0, $4  }
0x8: {  	[sflag:s4] =	ssyncpa.u1 $0x0;
	s7 =	simm.s32 @!p0 $0x0;
	p0 =	sne.s32 s1, $0x9  }
0x9: {  	s5 =	smul.u32 $0x7D0, s1;
	[sflag:s6] =	ssyncpa.u1 $0x0;
	s9 =	simm.s32 @!p0 $0x0  }
0xa: {  	s8 =	sadd.s32 $0x3400, s8;
	[sflag:s10] =	ssyncpa.u1 $0x0;
	s7 =	sadd.s32 s9, s7  }
0xb: {  	vm0 =	vmmov $0xffff;
	s10 =	simm.s32 $0x0;
	s11 =	smov.u32 s5;
	s9 =	sadd.s32 $0x1, s7  }
.LBB2_4:
0xc: {  	v2 =	vnsel vm1, $0x0, v2  }
0xd: {  	vm1 =	vgt.s32 v0, $0x0;
	v2 =	vmin.u32 v2, $0xC34F  }
0xe: {  	v0 =	vnsel vm1, $0x0, v0  }
0xf: {  	v0 =	vmin.u32 v0, $0xC34F  }
0x10: {  	[tilespmem:s18], [sflag:$0x1] =	stream.indirect_vreg.gather [hbm4b:s2+s10], $0x1, v1, vm0, $0x4038;
	[tilespmem:$0x1F40] =	vst v63  }
0x11: {  	(ifvalue) =	ssetifvalue $0x7FFFFFFF  }
0x12: {  	[tilespmem:s15], [sflag:$0x1] =	stream.indirect_vreg.gather [hbm4b:s2+s10], $0x1, v2, vm0, $0x4038;
	[tilespmem:$0x1F40] =	vst v63  }
0x13: {  	s29 =	sadd.s32 $0x10, s15;
	(ifvalue) =	ssetifvalue $0x7FFFFFFF  }
0x14: {  	[tilespmem:s29], [sflag:$0x1] =	stream.indirect_vreg.gather [hbm4b:s2+s10], $0x1, v0, vm0, $0x4038;
	[tilespmem:$0x1F40] =	vst v63  }
0x15: {  	_ =	swait.ge [sflag:s4], $0x7D0  }
0x16: {  	s30 =	sshrl.u32 s13, $0x3;
	[sflag:s4] =	ssyncset.done $0x0  }
0x17: {  	s31 =	sand.u32 $0x7, s13;
	s15 =	sadd.s32 s8, s30;
	[sflag:s4] =	ssyncadd.s32 $0xFFFFF830  }
0x18: {  	[hbm4b:s15+s31] =	stream.linear.scatter [tilespmem:s14], [sflag:$0x3], $0x7D0, $0x38;
	[tilespmem:$0x1F40] =	vst v63  }
.LBB2_5:
0x19: {  	s15 =	sadd.s32 $0x7D00, s11  }
0x1a: {  	p1 =	sgt.s32 s15, $0xC34F  }
0x1b: {  	s15 =	smov.u32 @p1 s5;
	p1 =	sne.s32 s12, s9  }
.Ltmp1:
0x1c: {  	p0 =	slt.u32 s12, $0x2;
	(pc) =	sbr.rel @!p1 .LBB2_6-.Ltmp1, $4  }
0x1d: {  	s14 =	simm.s32 @!p0 $0x3  }
0x1e: {  	_ =	swait.ge @!p0 [sflag:s14], $0x7D0  }
0x1f: {  	s16 =	sadd.s32 $0x1, s12;
	s13 =	smov.u32 s11;
	[sflag:s14] =	ssyncset.done @!p0 $0x0  }
0x20: {  	s12 =	smov.u32 s16;
	s11 =	smov.u32 s15;
	[sflag:s14] =	ssyncadd.s32 @!p0 $0xFFFFF830  }
.LBB2_1:
0x21: {  	p0 =	sge.u32 s12, s7  }
0x22: {  	s14 =	sxor.u32 @!p0 $0x1, s12  }
0x23: {  	s14 =	smul.u32 @!p0 $0x1F40, s14  }
0x24: {  	s31 =	sadd.s32 $0xFFFFFFFF, s12;
	s15 =	sshrl.u32 @!p0 s11, $0x3  }
0x25: {  	s16 =	sand.u32 @!p0 $0x7, s11;
	s15 =	sadd.s32 @!p0 s3, s15;
	s14 =	sshra.s32 @!p0 s14, $0x2  }
0x26: {  	[tilespmem:s14], [sflag:$0x2] =	stream.linear.gather @!p0 [hbm4b:s15+s16], $0x7D0, $0x38;
	[tilespmem:$0x1F40] =	vst v63  }
0x27: {  	p0 =	sge.u32 s31, s7  }
.Ltmp2:
0x28: {  	_ = 	snop;
	(pc) =	sbr.rel @p0 .LBB2_5-.Ltmp2, $1  }
0x29: {  	_ =	sdelay $0x3  }
0x2a: {  	s14 =	sand.u32 $0x1, s12  }
0x2b: {  	_ =	swait.ge [sflag:s6], $0x7D0;
	p0 =	seq.s32 s14, $0x1;
	s14 =	simm.s32 $0x7D0  }
0x2c: {  	[sflag:s6] =	ssyncset.done $0x0;
	s14 =	simm.s32 @!p0 $0x0  }
0x2d: {  	[sflag:s6] =	ssyncadd.s32 $0xFFFFF830;
	(ifvalue) =	ssetifvalue $0x7FFFFFFF;
	v0 =	vld.msk [tilespmem:s14+$0x0 ss:$0x1], $0xffff;
	_ =	sdelay $0x4  }
0x2e: {  	s15 =	sadd.s32 $0x10, s14;
	vm1 =	vgt.s32 v0, $0x0  }
0x2f: {  	v2 =	vld.msk [tilespmem:s15+$0x0 ss:$0x1], $0xffff;
	v1 =	vnsel vm1, $0x0, v0  }
0x30: {  	v1 =	vmin.u32 v1, $0xC34F;
	_ =	sdelay $0x2  }
0x31: {  	s17 =	simm.s32 $0x20;
	s14 =	sadd.s32 $0xFA0, s14;
	s16 =	sadd.s32 $0x10, s15  }
0x32: {  	s15 =	sadd.s32 $0x10, s14;
	s18 =	smov.u32 s14;
	v0 =	vld.msk [tilespmem:s16+$0x0 ss:$0x1], $0xffff;
	vm1 =	vgt.s32 v2, $0x0;
	(ifvalue) =	ssetifvalue $0x7FFFFFFF  }
.LBB2_3:
0x33: {  	[tilespmem:s18], [sflag:$0x1] =	stream.indirect_vreg.gather [hbm4b:s2+s10], $0x1, v1, vm0, $0x4038;
	[tilespmem:$0x1F40] =	vst v63  }
0x34: {  	s17 =	sadd.s32 $0x10, s17  }
0x35: {  	v2 =	vnsel vm1, $0x0, v2;
	p0 =	slt.u32 s17, $0x7C0  }
.Ltmp3:
0x36: {  	s18 =	smov.u32 s15;
	v1 =	vmin.u32 v2, $0xC34F;
	(pc) =	sbr.rel @p0 .LBB2_3-.Ltmp3, $3  }
0x37: {  	_ =	sdelay $0x1  }
0x38: {  	s16 =	sadd.s32 $0x10, s16  }
0x39: {  	vm1 =	vgt.s32 v0, $0x0;
	s15 =	sadd.s32 $0x10, s15;
	v2 =	vmov v0;
	(ifvalue) =	ssetifvalue $0x7FFFFFFF;
	v0 =	vld.msk [tilespmem:s16+$0x0 ss:$0x1], $0xffff  }
.Ltmp4:
0x3a: {  	_ = 	snop;
	(pc) =	sbr.rel .LBB2_4-.Ltmp4, $1  }
0x3b: {  	_ =	sdelay $0x3  }
.LBB2_6:
0x3c: {  	_ =	sfence.sel $0x180000  }
0x3d: {  	s2 =	simm.s32 $0x2;
	[bflag:$0x0] =	sbarrier.arrive $0xFFFF  }
0x3e: {  	s30 =	simm.s32 $0x3;
	[sflag:s2] =	ssyncpa.u1 $0x1  }
0x3f: {  	s31 =	simm.s32 $0x1;
	[sflag:s30] =	ssyncpa.u1 $0x1  }
0x40: {  	[sflag:s31] =	ssyncpa.u1 $0x1  }
0x41: {  	p0 =	sne.s32 s1, $0x0;
	_ =	strace $0x9000004A  }
0x42: {  	s0 =	sadd.s32 @!p0 $0x100000, s0;
	[bflag:$0x2] =	sbarrier.arrive $0xFFFF  }
0x43: {  	[sflag:s0] =	ssyncadd.tile.s32 @!p0 $0x1;
	_ =	shalt  }
.Lfunc_end2:
_tile_overlayer_lowered:
.L_overlay_start_2:
0x44: {  	(tag) =	ssettag $0x2  }
0x45: {  	s0 =	rddreg [dreg:$0x0];
	s2 =	stileid.u32  }
0x46: {  	s1 =	rddreg [dreg:$0x1];
	p0 =	sne.s32 s2, $0x0  }
0x47: {  	s3 =	rddreg [dreg:$0x2];
	[bflag:$0x3] =	sbarrier.arrive $0xFFFF;
	s2 =	simm.s32 @!p0 $0x1C01  }
0x48: {  	[timem:s3], [sflag:s2] =	dma.local @!p0 [hbm:s0], s1  }
0x49: {  	s0 =	simm.s32 @!p0 $0x1  }
0x4a: {  	_ =	swait.ge @!p0 [sflag:s0], s1  }
0x4b: {  	s1 =	ssub.s32 @!p0 $0x0, s1;
	[sflag:s0] =	ssyncset.done @!p0 $0x0  }
0x4c: {  	[sflag:s0] =	ssyncadd.s32 @!p0 s1  }
0x4d: {  	[bflag:$0x3] =	sbarrier.arrive $0xFFFF  }
0x4e: {  	_ =	shalt  }

// kernel: gather_offload_async_start.3
scs
__scs_entry_jumppad:
0x0: {  	(pc) =	sbr.rel $0x88, $3  }
0x1: {  	(tag) =	ssettag $0x0;
	lr =	simm.s32 $0x1  }
0x2: {  	[smem:$0x3F9B] =	sst lr;
	_ =	strace $0xD0000000  }
0x3: {  	_ = 	snop  }
0x4: {  	_ = 	snop  }
0x5: {  	_ = 	snop  }
0x6: {  	_ = 	snop  }
0x7: {  	_ = 	snop  }
__scs_overlays_trampoline_lowered:
0x8: {  	[smem:$0x3FAA] =	sst s0  }
0x9: {  	[smem:$0x3FAB] =	sst s1  }
0xa: {  	[smem:$0x3FAC] =	sst s2  }
0xb: {  	[smem:$0x3FAD] =	sst s3  }
0xc: {  	[smem:$0x3FAE] =	sst s4  }
0xd: {  	[smem:$0x3FAF] =	sst s5  }
0xe: {  	[smem:$0x3FB0] =	sst s6  }
0xf: {  	[smem:$0x3FB1] =	sst s7  }
0x10: {  	[smem:$0x3FB2] =	sst s8  }
0x11: {  	[smem:$0x3FB3] =	sst s9;
	s0 =	simm.s32 @!p0 $0x0  }
0x12: {  	s1 =	sld [smem:$0x3F99];
	s0 =	simm.s32 @p0 $0x1  }
0x13: {  	[smem:$0x3FB4] =	sst s0;
	s0 =	simm.s32 @!p1 $0x0  }
0x14: {  	s2 =	sld [smem:$0x3F98];
	s0 =	simm.s32 @p1 $0x1  }
0x15: {  	[smem:$0x3FB5] =	sst s0;
	s0 =	simm.s32 @!p2 $0x0  }
0x16: {  	s3 =	sld [smem:$0x3FDB];
	s0 =	simm.s32 @p2 $0x1  }
0x17: {  	s4 =	simm.s32 $0x1BF5;
	[smem:$0x3FB7] =	sst s0  }
0x18: {  	s0 =	sld [smem:$0x3F9A];
	_ =	swait.ge [sflag:s4], $0x0  }
0x19: {  	s7 =	sld [smem:$0x3F9B]  }
0x1a: {  	s8 =	sadd.s32 $0xFFFFE003, lr  }
0x1b: {  	s9 =	sadd.s32 $0xFFFFFEF7, lr;
	s5 =	simm.s32 $0xFFFFFFFF;
	p2 =	slt.u32 s8, $0xFFFFF086  }
0x1c: {  	p1 =	slt.u32 s9, $0xF7A;
	s5 =	simm.s32 @!p2 $0x0  }
0x1d: {  	s5 =	simm.s32 @p1 $0x1;
	p0 =	seq.s32 s7, s2  }
0x1e: {  	s7 =	smul.u32 @!p0 $0xF7A, s2;
	p2 =	seq.s32 @!p0 s5, $0x0  }
0x1f: {  	s9 =	smul.u32 $0xF7A, s1;
	s8 =	simm.s32 @!p0 $0x1BF5;
	p2 =	por !p2, p0  }
0x20: {  	[sflag:s8] =	ssyncset.s32 @!p0 $0xFFFFF086;
	s6 =	sadd.s32 @!p0 s3, s7;
	s7 =	simm.s32 @!p0 $0x108  }
0x21: {  	s3 =	sadd.s32 s3, s9;
	s6 =	sadd.s32 @!p0 $0x88, s6;
	s7 =	simm.s32 @p2 $0x1082  }
0x22: {  	[simem:s7], [sflag:s8] =	dma.local @!p0 [hbm:s6], $0xF7A  }
0x23: {  	s9 =	sor.u32 $0xD0000000, s2;
	s6 =	simm.s32 $0x108;
	_ =	swait.ge @!p0 [sflag:s8], $0x0  }
0x24: {  	s3 =	sadd.s32 $0x88, s3;
	s6 =	simm.s32 @!p1 $0x1082;
	[sflag:s4] =	ssyncset.s32 $0xFFFFF086  }
0x25: {  	[simem:s6], [sflag:s4] =	dma.local [hbm:s3], $0xF7A  }
0x26: {  	[smem:$0x3F9B] =	sst s1;
	(tag) =	ssettag s2;
	_ =	strace s9  }
0x27: {  	s1 =	sld [smem:$0x3FAB]  }
0x28: {  	s2 =	sld [smem:$0x3FAC]  }
0x29: {  	s4 =	sld [smem:$0x3FAE]  }
0x2a: {  	p0 =	seq.s32 s5, $0x0;
	s5 =	sld [smem:$0x3FAF]  }
0x2b: {  	s6 =	sld [smem:$0x3FB0]  }
0x2c: {  	s7 =	sld [smem:$0x3FB1]  }
0x2d: {  	s3 =	simm.s32 $0x108;
	s8 =	sld [smem:$0x3FB2]  }
0x2e: {  	s3 =	simm.s32 @!p0 $0x1082;
	s9 =	sld [smem:$0x3FB3]  }
0x2f: {  	lr =	sadd.s32 s0, s3;
	s0 =	sld [smem:$0x3FAA]  }
0x30: {  	s3 =	sld [smem:$0x3FAD]  }
0x31: {  	[smem:$0x3FB6] =	sst s10  }
0x32: {  	s10 =	sld [smem:$0x3FB4];
	_ =	sdelay $0x3  }
0x33: {  	p0 =	seq.s32 s10, $0x1;
	s10 =	sld [smem:$0x3FB6];
	_ =	sdelay $0x3  }
0x34: {  	[smem:$0x3FB6] =	sst s10  }
0x35: {  	s10 =	sld [smem:$0x3FB5];
	_ =	sdelay $0x3  }
0x36: {  	p1 =	seq.s32 s10, $0x1;
	s10 =	sld [smem:$0x3FB6];
	_ =	sdelay $0x3  }
0x37: {  	[smem:$0x3FB6] =	sst s10  }
0x38: {  	s10 =	sld [smem:$0x3FB7]  }
0x39: {  	_ = 	snop;
	(pc) =	sbr.ind lr, $3  }
0x3a: {  	_ = 	snop  }
0x3b: {  	_ = 	snop  }
0x3c: {  	p2 =	seq.s32 s10, $0x1;
	s10 =	sld [smem:$0x3FB6]  }
0x3d: {  	_ =	shalt  }
0x3e: {  	_ =	shalt  }
0x3f: {  	_ =	shalt  }
0x40: {  	_ =	shalt  }
0x41: {  	_ =	shalt  }
0x42: {  	_ =	shalt  }
0x43: {  	_ =	shalt  }
0x44: {  	_ =	shalt  }
0x45: {  	_ =	shalt  }
0x46: {  	_ =	shalt  }
0x47: {  	_ =	shalt  }
0x48: {  	_ =	shalt  }
0x49: {  	_ =	shalt  }
0x4a: {  	_ =	shalt  }
0x4b: {  	_ =	shalt  }
0x4c: {  	_ =	shalt  }
0x4d: {  	_ =	shalt  }
0x4e: {  	_ =	shalt  }
0x4f: {  	_ =	shalt  }
0x50: {  	_ =	shalt  }
0x51: {  	_ =	shalt  }
0x52: {  	_ =	shalt  }
0x53: {  	_ =	shalt  }
0x54: {  	_ =	shalt  }
0x55: {  	_ =	shalt  }
0x56: {  	_ =	shalt  }
0x57: {  	_ =	shalt  }
0x58: {  	_ =	shalt  }
0x59: {  	_ =	shalt  }
0x5a: {  	_ =	shalt  }
0x5b: {  	_ =	shalt  }
0x5c: {  	_ =	shalt  }
0x5d: {  	_ =	shalt  }
0x5e: {  	_ =	shalt  }
0x5f: {  	_ =	shalt  }
0x60: {  	_ =	shalt  }
0x61: {  	_ =	shalt  }
0x62: {  	_ =	shalt  }
0x63: {  	_ =	shalt  }
0x64: {  	_ =	shalt  }
0x65: {  	_ =	shalt  }
0x66: {  	_ =	shalt  }
0x67: {  	_ =	shalt  }
0x68: {  	_ =	shalt  }
0x69: {  	_ =	shalt  }
0x6a: {  	_ =	shalt  }
0x6b: {  	_ =	shalt  }
0x6c: {  	_ =	shalt  }
0x6d: {  	_ =	shalt  }
0x6e: {  	_ =	shalt  }
0x6f: {  	_ =	shalt  }
0x70: {  	_ =	shalt  }
0x71: {  	_ =	shalt  }
0x72: {  	_ =	shalt  }
0x73: {  	_ =	shalt  }
0x74: {  	_ =	shalt  }
0x75: {  	_ =	shalt  }
0x76: {  	_ =	shalt  }
0x77: {  	_ =	shalt  }
0x78: {  	_ =	shalt  }
0x79: {  	_ =	shalt  }
0x7a: {  	_ =	shalt  }
0x7b: {  	_ =	shalt  }
0x7c: {  	_ =	shalt  }
0x7d: {  	_ =	shalt  }
0x7e: {  	_ =	shalt  }
0x7f: {  	_ =	shalt  }
0x80: {  	_ =	shalt  }
0x81: {  	_ =	shalt  }
0x82: {  	_ =	shalt  }
0x83: {  	_ =	shalt  }
0x84: {  	_ =	shalt  }
0x85: {  	_ =	shalt  }
0x86: {  	_ =	shalt  }
0x87: {  	_ =	shalt  }
.Lfunc_end0:
.L_simem_size_0:
called_computation.3_lowered:
.L_overlay_start_0:
0x88: {  	s0 =	sld [smem:$0x3FD9]  }
0x89: {  	s1 =	sld [smem:$0x3FFE];
	_ =	sdelay $0x3  }
0x8a: {  	s0 =	sadd.s32 s1, s0  }
0x8b: {  	[smem:$0x3FC2] =	sst s0  }
0x8c: {  	_ = 	snop  }
0x8d: {  	s0 =	sld [smem:$0x3FD0];
	_ =	sdelay $0x2  }
0x8e: {  	s13 =	simm.s32 $0xC;
	s2 =	simm.s32 $0x10  }
0x8f: {  	[smem:s2], [sflag:s13] =	dma.local [hbm:s0], $0x1  }
0x90: {  	_ =	swait.eq [sflag:s13], $0x1  }
0x91: {  	[sflag:s13] =	ssyncset.done $0x0  }
0x92: {  	[sflag:s13] =	ssyncadd.s32 $0xFFFFFFFF  }
0x93: {  	s14 =	sld [smem:$0x11];
	(tm) =	ssettm $0x1  }
0x94: {  	s15 =	sld [smem:$0x3FFB];
	_ =	sdelay $0x3  }
0x95: {  	_ =	strace s15  }
0x96: {  	s1 =	sld [smem:$0x3FFC];
	_ =	sdelay $0x3  }
0x97: {  	_ =	strace s1  }
0x98: {  	s1 =	sld [smem:$0x3FFD];
	_ =	sdelay $0x3  }
0x99: {  	_ =	strace s1  }
0x9a: {  	_ =	strace $0x8FFFFFFF  }
0x9b: {  	s16 =	sld [smem:$0x3FDB];
	_ =	sdelay $0x1  }
0x9c: {  	s17 =	simm.s32 $_scs_section_size  }
0x9d: {  	s3 =	simm.s32 $_size__tile_overlayer_lowered;
	s4 =	simm.s32 $_tile_overlayer_lowered  }
0x9e: {  	s20 =	simm.s32 $0x1BFF;
	s19 =	sshll.u32 s4, $0x1;
	s1 =	sadd.s32 s17, s16  }
0x9f: {  	s5 =	simm.s32 $0x0;
	s18 =	sshll.u32 s3, $0x1;
	s3 =	sadd.s32 s19, s1  }
0xa0: {  	[timem:s5], [sflag:s20] =	dma.local [hbm:s3], s18  }
0xa1: {  	_ =	swait.ge [sflag:s20], s18  }
0xa2: {  	s2 =	ssub.s32 $0x0, s18;
	[sflag:s20] =	ssyncset.done $0x0  }
0xa3: {  	[sflag:s20] =	ssyncadd.s32 s2;
	_ =	sdelay $0x1  }
0xa4: {  	s21 =	simm.s32 $0x1B8B  }
0xa5: {  	_ =	swait.ge [sflag:s21], $0x1  }
0xa6: {  	[sflag:s21] =	ssyncset.done $0x0  }
0xa7: {  	s23 =	simm.s32 $0x1B8E;
	s22 =	sld [smem:$0x3FFE];
	[sflag:s21] =	ssyncadd.s32 $0xFFFFFFFF  }
0xa8: {  	s24 =	simm.s32 $execute0_lowered;
	[smem:$0x3FD2] =	sst s23  }
0xa9: {  	s3 =	sshll.u32 s24, $0x1;
	_ =	strace $0x8000004C;
	[dreg:$0x1] =	wrdreg $0xFFFFFFFF  }
0xaa: {  	s25 =	simm.s32 $_size_execute0_lowered;
	s1 =	sadd.s32 s1, s3;
	[dreg:$0x0] =	wrdreg $0x0  }
0xab: {  	s3 =	sshll.u32 s25, $0x1;
	[dreg:$0x2] =	wrdreg s1  }
0xac: {  	[dreg:$0x3] =	wrdreg s3  }
0xad: {  	[dreg:$0x4] =	wrdreg $0xC0  }
0xae: {  	_ =	task [dreg:s5], $0x5FFFF  }
0xaf: {  	[dreg:$0x1] =	wrdreg $0xFFFFFFFF  }
0xb0: {  	[dreg:$0x0] =	wrdreg $0x60  }
0xb1: {  	[dreg:$0x2] =	wrdreg s22  }
0xb2: {  	[dreg:$0x3] =	wrdreg s14  }
0xb3: {  	[dreg:$0x4] =	wrdreg $0xB  }
0xb4: {  	_ =	task.clear_ibuf [dreg:s5], $0x5FFFF;
	_ =	strace $0x9000004C  }
0xb5: {  	s26 =	simm.s32 $0xB;
	_ =	strace $0x8000004E  }
0xb6: {  	_ =	swait.ge [sflag:s26], $0x1  }
0xb7: {  	[sflag:s26] =	ssyncadd.s32 $0xFFFFFFFF  }
0xb8: {  	_ =	strace $0x9000004E  }
0xb9: {  	_ =	sfence  }
0xba: {  	s28 =	sld [smem:$0x0];
	_ =	sdelay $0x1  }
0xbb: {  	s29 =	srdreg.scid  }
0xbc: {  	s30 =	sshll.u32 s29, $0xD;
	s31 =	sshrl.u32 s29, $0x2  }
0xbd: {  	s2 =	sand.u32 $0x4000, s30;
	s1 =	sand.u32 $0x1, s29;
	s0 =	sadd.s32 s31, s28  }
0xbe: {  	s1 =	sor.u32 s2, s1;
	s0 =	sshll.u32 s0, $0x11  }
0xbf: {  	s0 =	sor.u32 s0, s1  }
0xc0: {  	s0 =	sadd.s32 $0x8F2B, s0  }
0xc1: {  	[sflag:s0] =	ssyncadd.remote.s32 $0x1  }
0xc2: {  	_ =	sfence.sel $0xFFFF  }
0xc3: {  	[dreg:$0x0] =	wrdreg $0xFFFFFFFF;
	(pc) =	sbr.abs _section_cstart, $3  }
0xc4: {  	[dreg:$0x1] =	wrdreg $0xFFFFFFFF  }
0xc5: {  	_ =	task.clear_ibuf [dreg:s5], $0x2FFFF;
	_ =	strace $0x9FFFFFFF  }
0xc6: {  	(tm) =	ssettm $0x7FFFFFFF  }
0xc7: {  	_ =	shalt  }
tec
execute0_lowered:
.L_overlay_start_1:
0x0: {  	(tag) =	ssettag $0x1  }
0x1: {  	s0 =	stileid.u32  }
0x2: {  	s1 =	smul.u32 $0x7, s0  }
0x3: {  	s2 =	smin.u32 s0, $0xD  }
0x4: {  	s1 =	sadd.s32 s2, s1  }
0x5: {  	p0 =	slt.u32 s0, $0xD;
	s2 =	simm.s32 $0xC80;
	s1 =	smul.u32 $0x190, s1  }
0x6: {  	s2 =	simm.s32 @!p0 $0xAF0  }
0x7: {  	s2 =	sadd.s32 s2, s1  }
0x8: {  	s3 =	smin.u32 s2, $0xC350  }
0x9: {  	s7 =	ssub.s32 s3, s1  }
0xa: {  	p0 =	sgt.s32 s7, $0x0  }
0xb: {  	s7 =	simm.s32 @!p0 $0x0  }
0xc: {  	s31 =	sand.u32 $0xFFF0, s7  }
0xd: {  	s2 =	sshrl.u32 s31, $0x4  }
0xe: {  	s9 =	rddreg [dreg:$0x0];
	s2 =	smul.u32 $0xA3E, s2  }
0xf: {  	s4 =	rddreg [dreg:$0x1];
	s6 =	simm.s32 $0x1  }
0x10: {  	s11 =	simm.s32 $0x3;
	s13 =	simm.s32 $0x0;
	s8 =	sshrl.u32 s2, $0x10  }
0x11: {  	s12 =	simm.s32 $0x0;
	s5 =	sadd.s32 $0x4E00, s9;
	s10 =	smul.u32 $0x190, s8  }
.Ltmp0:
0x12: {  	s9 =	sadd.s32 $0xC8400, s9;
	s2 =	rddreg [dreg:$0x2];
	(pc) =	sbr.rel .LBB2_1-.Ltmp0, $4  }
0x13: {  	_ =	strace $0x8000004D;
	p0 =	sne.s32 s7, s10;
	s10 =	simm.s32 $0x1  }
0x14: {  	[sflag:s6] =	ssyncpa.u1 $0x0;
	s7 =	simm.s32 $0x2;
	s10 =	simm.s32 @!p0 $0x0  }
0x15: {  	[sflag:s7] =	ssyncpa.u1 $0x0;
	p0 =	por $0x0, $0x0;
	s8 =	sadd.s32 s8, s10  }
0x16: {  	vm0 =	vmmov $0xff;
	vm1 =	vcmask $0x3F20;
	[sflag:s11] =	ssyncpa.u1 $0x0;
	s11 =	smov.u32 s1;
	s10 =	sadd.s32 $0x1, s8  }
.LBB2_6:
0x17: {  	[hbm:s17] =	stream.linear.scatter [tilespmem:s14], [sflag:$0x3], $0x400, $0x38;
	[tilespmem:$0x19320] =	vst v63  }
.LBB2_7:
0x18: {  	s13 =	sadd.s32 $0x190, s11  }
0x19: {  	s15 =	smov.u32 s1;
	p2 =	slt.s32 s13, s3  }
0x1a: {  	s15 =	smov.u32 @p2 s13;
	p2 =	sne.s32 s12, s10  }
.Ltmp1:
0x1b: {  	p1 =	slt.u32 s12, $0x2;
	(pc) =	sbr.rel @!p2 .LBB2_8-.Ltmp1, $4  }
0x1c: {  	s14 =	simm.s32 @!p1 $0x3  }
0x1d: {  	s16 =	sadd.s32 $0x1, s12;
	_ =	swait.ge @!p1 [sflag:s14], $0xC800  }
0x1e: {  	p0 =	por !p0, !p0;
	s13 =	smov.u32 s11;
	[sflag:s14] =	ssyncset.done @!p1 $0x0  }
0x1f: {  	s12 =	smov.u32 s16;
	s11 =	smov.u32 s15;
	[sflag:s14] =	ssyncadd.s32 @!p1 $0xFFFF3800  }
.LBB2_1:
0x20: {  	p1 =	sge.u32 s12, s8  }
0x21: {  	s14 =	sxor.u32 @!p1 $0xFFFFFFFF, s12  }
0x22: {  	s14 =	sand.u32 @!p1 $0x1, s14  }
0x23: {  	s14 =	smul.u32 @!p1 $0x640, s14  }
0x24: {  	s31 =	sadd.s32 $0xFFFFFFFF, s12;
	s15 =	sshrl.u32 @!p1 s11, $0x3  }
0x25: {  	s16 =	sand.u32 @!p1 $0x7, s11;
	s15 =	sadd.s32 @!p1 s4, s15;
	s14 =	sshrl.u32 @!p1 s14, $0x2  }
0x26: {  	[tilespmem:s14], [sflag:$0x2] =	stream.linear.gather @!p1 [hbm4b:s15+s16], $0x190, $0x38;
	[tilespmem:$0x19320] =	vst v63  }
0x27: {  	p1 =	sge.u32 s31, s8  }
.Ltmp2:
0x28: {  	_ = 	snop;
	(pc) =	sbr.rel @p1 .LBB2_7-.Ltmp2, $1  }
0x29: {  	_ =	sdelay $0x3  }
0x2a: {  	s14 =	simm.s32 $0x1  }
0x2b: {  	s14 =	simm.s32 @!p0 $0x0  }
0x2c: {  	s15 =	smul.u32 $0x640, s14  }
0x2d: {  	_ =	swait.ge [sflag:s7], $0x190  }
0x2e: {  	[sflag:s7] =	ssyncset.done $0x0;
	s16 =	sshrl.u32 s15, $0x2  }
0x2f: {  	[sflag:s7] =	ssyncadd.s32 $0xFFFFFE70;
	s15 =	sadd.s32 $0x0, s16  }
0x30: {  	v0 =	vld.msk [tilespmem:s15+$0x0 ss:$0x1], $0xffff;
	_ =	sdelay $0x4  }
0x31: {  	vm2 =	vgt.s32 v0, $0x0  }
0x32: {  	v0 =	vnsel vm2, $0x0, v0  }
0x33: {  	v0 =	vmin.u32 v0, $0xC34F  }
0x34: {  	v0 =	vshll.u32 v0, $0x4  }
0x35: {  	s14 =	smul.u32 $0x32000, s14;
	_ =	sdelay $0x1  }
0x36: {  	s14 =	sshrl.u32 s14, $0x2  }
0x37: {  	s14 =	sor.u32 $0x320, s14  }
0x38: {  	[tilespmem:s14], [sflag:$0x1] =	stream.indirect_vreg.gather [hbm:s5], $0x80, v0, vm0, $0x38;
	[tilespmem:$0x19320] =	vst v63  }
0x39: {  	s17 =	sadd.s32 $0x10, s16;
	s15 =	sadd.s32 $0x400, s14  }
0x3a: {  	[tilespmem:s15], [sflag:$0x1] =	stream.indirect_vreg.gather [hbm:s5], $0x80, v0, vm1, $0x38;
	[tilespmem:$0x19320] =	vst v63  }
0x3b: {  	s18 =	simm.s32 $0x80;
	v0 =	vld.msk [tilespmem:s17+$0x0 ss:$0x1], $0xffff;
	s17 =	smov.u32 s14  }
.LBB2_3:
0x3c: {  	p1 =	sne.s32 s18, $0x600;
	_ =	sdelay $0x4  }
0x3d: {  	vm2 =	vgt.s32 v0, $0x0  }
0x3e: {  	v0 =	vnsel vm2, $0x0, v0  }
0x3f: {  	v0 =	vmin.u32 v0, $0xC34F  }
0x40: {  	v0 =	vshll.u32 v0, $0x4;
	_ =	sdelay $0x3  }
.Ltmp3:
0x41: {  	s19 =	sshra.s32 s18, $0x2;
	s17 =	sadd.s32 $0x800, s17;
	(pc) =	sbr.rel @p1 .LBB2_3-.Ltmp3, $4  }
0x42: {  	[tilespmem:s17], [sflag:$0x1] =	stream.indirect_vreg.gather [hbm:s5], $0x80, v0, vm0, $0x38;
	[tilespmem:$0x19320] =	vst v63  }
0x43: {  	s19 =	sadd.s32 s19, s16;
	s20 =	sadd.s32 $0x400, s17  }
0x44: {  	[tilespmem:s20], [sflag:$0x1] =	stream.indirect_vreg.gather [hbm:s5], $0x80, v0, vm1, $0x38;
	[tilespmem:$0x19320] =	vst v63  }
0x45: {  	s18 =	sadd.s32 $0x40, s18;
	v0 =	vld.msk [tilespmem:s19+$0x0 ss:$0x1], $0xffff  }
0x46: {  	_ =	sdelay $0x3  }
0x47: {  	vm2 =	vgt.s32 v0, $0x0  }
0x48: {  	v0 =	vnsel vm2, $0x0, v0  }
0x49: {  	v0 =	vmin.u32 v0, $0xC34F  }
0x4a: {  	v0 =	vshll.u32 v0, $0x4;
	_ =	sdelay $0x3  }
0x4b: {  	s16 =	sadd.s32 $0x800, s17  }
0x4c: {  	[tilespmem:s16], [sflag:$0x1] =	stream.indirect_vreg.gather [hbm:s5], $0x80, v0, vm0, $0x38;
	[tilespmem:$0x19320] =	vst v63  }
0x4d: {  	s16 =	sadd.s32 $0x400, s16  }
0x4e: {  	[tilespmem:s16], [sflag:$0x1] =	stream.indirect_vreg.gather [hbm:s5], $0x80, v0, vm1, $0x38;
	[tilespmem:$0x19320] =	vst v63  }
0x4f: {  	s13 =	sshll.u32 s13, $0x4;
	_ =	swait.ge [sflag:s6], $0xC800  }
0x50: {  	s13 =	sadd.s32 s13, s9;
	[sflag:s6] =	ssyncset.done $0x0  }
0x51: {  	s17 =	sadd.s32 $0x0, s13;
	s16 =	simm.s32 $0x80;
	[sflag:s6] =	ssyncadd.s32 $0xFFFF3800  }
.LBB2_5:
0x52: {  	[hbm:s17] =	stream.linear.scatter [tilespmem:s14], [sflag:$0x3], $0x400, $0x38;
	[tilespmem:$0x19320] =	vst v63  }
0x53: {  	s17 =	smov.u32 s16;
	s14 =	smov.u32 s15;
	p1 =	sne.s32 s16, $0x1880  }
.Ltmp4:
0x54: {  	s16 =	sadd.s32 $0x80, s16;
	(pc) =	sbr.rel @p1 .LBB2_5-.Ltmp4, $2  }
0x55: {  	_ =	sdelay $0x2  }
0x56: {  	s15 =	sadd.s32 $0x400, s15;
	s17 =	sadd.s32 s17, s13  }
.Ltmp5:
0x57: {  	_ = 	snop;
	(pc) =	sbr.rel .LBB2_6-.Ltmp5, $1  }
0x58: {  	_ =	sdelay $0x3  }
.LBB2_8:
0x59: {  	_ =	sfence.sel $0x180000  }
0x5a: {  	s1 =	simm.s32 $0x2;
	[bflag:$0x0] =	sbarrier.arrive $0xFFFF  }
0x5b: {  	s30 =	simm.s32 $0x3;
	[sflag:s1] =	ssyncpa.u1 $0x1  }
0x5c: {  	s31 =	simm.s32 $0x1;
	[sflag:s30] =	ssyncpa.u1 $0x1  }
0x5d: {  	[sflag:s31] =	ssyncpa.u1 $0x1  }
0x5e: {  	p0 =	sne.s32 s0, $0x0;
	_ =	strace $0x9000004D  }
0x5f: {  	s0 =	sadd.s32 @!p0 $0x100000, s2;
	[bflag:$0x2] =	sbarrier.arrive $0xFFFF  }
0x60: {  	[sflag:s0] =	ssyncadd.tile.s32 @!p0 $0x1;
	_ =	shalt  }
.Lfunc_end2:
_tile_overlayer_lowered:
.L_overlay_start_2:
0x61: {  	(tag) =	ssettag $0x2  }
0x62: {  	s0 =	rddreg [dreg:$0x0];
	s2 =	stileid.u32  }
0x63: {  	s1 =	rddreg [dreg:$0x1];
	p0 =	sne.s32 s2, $0x0  }
0x64: {  	s3 =	rddreg [dreg:$0x2];
	[bflag:$0x3] =	sbarrier.arrive $0xFFFF;
	s2 =	simm.s32 @!p0 $0x1C01  }
0x65: {  	[timem:s3], [sflag:s2] =	dma.local @!p0 [hbm:s0], s1  }
0x66: {  	s0 =	simm.s32 @!p0 $0x1  }
0x67: {  	_ =	swait.ge @!p0 [sflag:s0], s1  }
0x68: {  	s1 =	ssub.s32 @!p0 $0x0, s1;
	[sflag:s0] =	ssyncset.done @!p0 $0x0  }
0x69: {  	[sflag:s0] =	ssyncadd.s32 @!p0 s1  }
0x6a: {  	[bflag:$0x3] =	sbarrier.arrive $0xFFFF  }
0x6b: {  	_ =	shalt  }

// kernel: gather_offload_async_start
scs
__scs_entry_jumppad:
0x0: {  	(pc) =	sbr.rel $0x88, $3  }
0x1: {  	(tag) =	ssettag $0x0;
	lr =	simm.s32 $0x1  }
0x2: {  	[smem:$0x3F9B] =	sst lr;
	_ =	strace $0xD0000000  }
0x3: {  	_ = 	snop  }
0x4: {  	_ = 	snop  }
0x5: {  	_ = 	snop  }
0x6: {  	_ = 	snop  }
0x7: {  	_ = 	snop  }
__scs_overlays_trampoline_lowered:
0x8: {  	[smem:$0x3FAA] =	sst s0  }
0x9: {  	[smem:$0x3FAB] =	sst s1  }
0xa: {  	[smem:$0x3FAC] =	sst s2  }
0xb: {  	[smem:$0x3FAD] =	sst s3  }
0xc: {  	[smem:$0x3FAE] =	sst s4  }
0xd: {  	[smem:$0x3FAF] =	sst s5  }
0xe: {  	[smem:$0x3FB0] =	sst s6  }
0xf: {  	[smem:$0x3FB1] =	sst s7  }
0x10: {  	[smem:$0x3FB2] =	sst s8  }
0x11: {  	[smem:$0x3FB3] =	sst s9;
	s0 =	simm.s32 @!p0 $0x0  }
0x12: {  	s1 =	sld [smem:$0x3F99];
	s0 =	simm.s32 @p0 $0x1  }
0x13: {  	[smem:$0x3FB4] =	sst s0;
	s0 =	simm.s32 @!p1 $0x0  }
0x14: {  	s2 =	sld [smem:$0x3F98];
	s0 =	simm.s32 @p1 $0x1  }
0x15: {  	[smem:$0x3FB5] =	sst s0;
	s0 =	simm.s32 @!p2 $0x0  }
0x16: {  	s3 =	sld [smem:$0x3FDB];
	s0 =	simm.s32 @p2 $0x1  }
0x17: {  	s4 =	simm.s32 $0x1BF5;
	[smem:$0x3FB7] =	sst s0  }
0x18: {  	s0 =	sld [smem:$0x3F9A];
	_ =	swait.ge [sflag:s4], $0x0  }
0x19: {  	s7 =	sld [smem:$0x3F9B]  }
0x1a: {  	s8 =	sadd.s32 $0xFFFFE003, lr  }
0x1b: {  	s9 =	sadd.s32 $0xFFFFFEF7, lr;
	s5 =	simm.s32 $0xFFFFFFFF;
	p2 =	slt.u32 s8, $0xFFFFF086  }
0x1c: {  	p1 =	slt.u32 s9, $0xF7A;
	s5 =	simm.s32 @!p2 $0x0  }
0x1d: {  	s5 =	simm.s32 @p1 $0x1;
	p0 =	seq.s32 s7, s2  }
0x1e: {  	s7 =	smul.u32 @!p0 $0xF7A, s2;
	p2 =	seq.s32 @!p0 s5, $0x0  }
0x1f: {  	s9 =	smul.u32 $0xF7A, s1;
	s8 =	simm.s32 @!p0 $0x1BF5;
	p2 =	por !p2, p0  }
0x20: {  	[sflag:s8] =	ssyncset.s32 @!p0 $0xFFFFF086;
	s6 =	sadd.s32 @!p0 s3, s7;
	s7 =	simm.s32 @!p0 $0x108  }
0x21: {  	s3 =	sadd.s32 s3, s9;
	s6 =	sadd.s32 @!p0 $0x88, s6;
	s7 =	simm.s32 @p2 $0x1082  }
0x22: {  	[simem:s7], [sflag:s8] =	dma.local @!p0 [hbm:s6], $0xF7A  }
0x23: {  	s9 =	sor.u32 $0xD0000000, s2;
	s6 =	simm.s32 $0x108;
	_ =	swait.ge @!p0 [sflag:s8], $0x0  }
0x24: {  	s3 =	sadd.s32 $0x88, s3;
	s6 =	simm.s32 @!p1 $0x1082;
	[sflag:s4] =	ssyncset.s32 $0xFFFFF086  }
0x25: {  	[simem:s6], [sflag:s4] =	dma.local [hbm:s3], $0xF7A  }
0x26: {  	[smem:$0x3F9B] =	sst s1;
	(tag) =	ssettag s2;
	_ =	strace s9  }
0x27: {  	s1 =	sld [smem:$0x3FAB]  }
0x28: {  	s2 =	sld [smem:$0x3FAC]  }
0x29: {  	s4 =	sld [smem:$0x3FAE]  }
0x2a: {  	p0 =	seq.s32 s5, $0x0;
	s5 =	sld [smem:$0x3FAF]  }
0x2b: {  	s6 =	sld [smem:$0x3FB0]  }
0x2c: {  	s7 =	sld [smem:$0x3FB1]  }
0x2d: {  	s3 =	simm.s32 $0x108;
	s8 =	sld [smem:$0x3FB2]  }
0x2e: {  	s3 =	simm.s32 @!p0 $0x1082;
	s9 =	sld [smem:$0x3FB3]  }
0x2f: {  	lr =	sadd.s32 s0, s3;
	s0 =	sld [smem:$0x3FAA]  }
0x30: {  	s3 =	sld [smem:$0x3FAD]  }
0x31: {  	[smem:$0x3FB6] =	sst s10  }
0x32: {  	s10 =	sld [smem:$0x3FB4];
	_ =	sdelay $0x3  }
0x33: {  	p0 =	seq.s32 s10, $0x1;
	s10 =	sld [smem:$0x3FB6];
	_ =	sdelay $0x3  }
0x34: {  	[smem:$0x3FB6] =	sst s10  }
0x35: {  	s10 =	sld [smem:$0x3FB5];
	_ =	sdelay $0x3  }
0x36: {  	p1 =	seq.s32 s10, $0x1;
	s10 =	sld [smem:$0x3FB6];
	_ =	sdelay $0x3  }
0x37: {  	[smem:$0x3FB6] =	sst s10  }
0x38: {  	s10 =	sld [smem:$0x3FB7]  }
0x39: {  	_ = 	snop;
	(pc) =	sbr.ind lr, $3  }
0x3a: {  	_ = 	snop  }
0x3b: {  	_ = 	snop  }
0x3c: {  	p2 =	seq.s32 s10, $0x1;
	s10 =	sld [smem:$0x3FB6]  }
0x3d: {  	_ =	shalt  }
0x3e: {  	_ =	shalt  }
0x3f: {  	_ =	shalt  }
0x40: {  	_ =	shalt  }
0x41: {  	_ =	shalt  }
0x42: {  	_ =	shalt  }
0x43: {  	_ =	shalt  }
0x44: {  	_ =	shalt  }
0x45: {  	_ =	shalt  }
0x46: {  	_ =	shalt  }
0x47: {  	_ =	shalt  }
0x48: {  	_ =	shalt  }
0x49: {  	_ =	shalt  }
0x4a: {  	_ =	shalt  }
0x4b: {  	_ =	shalt  }
0x4c: {  	_ =	shalt  }
0x4d: {  	_ =	shalt  }
0x4e: {  	_ =	shalt  }
0x4f: {  	_ =	shalt  }
0x50: {  	_ =	shalt  }
0x51: {  	_ =	shalt  }
0x52: {  	_ =	shalt  }
0x53: {  	_ =	shalt  }
0x54: {  	_ =	shalt  }
0x55: {  	_ =	shalt  }
0x56: {  	_ =	shalt  }
0x57: {  	_ =	shalt  }
0x58: {  	_ =	shalt  }
0x59: {  	_ =	shalt  }
0x5a: {  	_ =	shalt  }
0x5b: {  	_ =	shalt  }
0x5c: {  	_ =	shalt  }
0x5d: {  	_ =	shalt  }
0x5e: {  	_ =	shalt  }
0x5f: {  	_ =	shalt  }
0x60: {  	_ =	shalt  }
0x61: {  	_ =	shalt  }
0x62: {  	_ =	shalt  }
0x63: {  	_ =	shalt  }
0x64: {  	_ =	shalt  }
0x65: {  	_ =	shalt  }
0x66: {  	_ =	shalt  }
0x67: {  	_ =	shalt  }
0x68: {  	_ =	shalt  }
0x69: {  	_ =	shalt  }
0x6a: {  	_ =	shalt  }
0x6b: {  	_ =	shalt  }
0x6c: {  	_ =	shalt  }
0x6d: {  	_ =	shalt  }
0x6e: {  	_ =	shalt  }
0x6f: {  	_ =	shalt  }
0x70: {  	_ =	shalt  }
0x71: {  	_ =	shalt  }
0x72: {  	_ =	shalt  }
0x73: {  	_ =	shalt  }
0x74: {  	_ =	shalt  }
0x75: {  	_ =	shalt  }
0x76: {  	_ =	shalt  }
0x77: {  	_ =	shalt  }
0x78: {  	_ =	shalt  }
0x79: {  	_ =	shalt  }
0x7a: {  	_ =	shalt  }
0x7b: {  	_ =	shalt  }
0x7c: {  	_ =	shalt  }
0x7d: {  	_ =	shalt  }
0x7e: {  	_ =	shalt  }
0x7f: {  	_ =	shalt  }
0x80: {  	_ =	shalt  }
0x81: {  	_ =	shalt  }
0x82: {  	_ =	shalt  }
0x83: {  	_ =	shalt  }
0x84: {  	_ =	shalt  }
0x85: {  	_ =	shalt  }
0x86: {  	_ =	shalt  }
0x87: {  	_ =	shalt  }
.Lfunc_end0:
.L_simem_size_0:
called_computation_lowered:
.L_overlay_start_0:
0x88: {  	s0 =	sld [smem:$0x3FD9]  }
0x89: {  	s1 =	sld [smem:$0x3FFE];
	_ =	sdelay $0x3  }
0x8a: {  	s0 =	sadd.s32 s1, s0  }
0x8b: {  	[smem:$0x3FC2] =	sst s0  }
0x8c: {  	_ = 	snop  }
0x8d: {  	s0 =	sld [smem:$0x3FD0];
	_ =	sdelay $0x2  }
0x8e: {  	s13 =	simm.s32 $0xC;
	s2 =	simm.s32 $0x10  }
0x8f: {  	[smem:s2], [sflag:s13] =	dma.local [hbm:s0], $0x1  }
0x90: {  	_ =	swait.eq [sflag:s13], $0x1  }
0x91: {  	[sflag:s13] =	ssyncset.done $0x0  }
0x92: {  	s14 =	sld [smem:$0x10];
	[sflag:s13] =	ssyncadd.s32 $0xFFFFFFFF  }
0x93: {  	s15 =	sld [smem:$0x11];
	(tm) =	ssettm $0x1  }
0x94: {  	s16 =	sld [smem:$0x3FFB];
	_ =	sdelay $0x3  }
0x95: {  	_ =	strace s16  }
0x96: {  	s2 =	sld [smem:$0x3FFC];
	_ =	sdelay $0x3  }
0x97: {  	_ =	strace s2  }
0x98: {  	s2 =	sld [smem:$0x3FFD];
	_ =	sdelay $0x3  }
0x99: {  	_ =	strace s2  }
0x9a: {  	_ =	strace $0x8FFFFFFF  }
0x9b: {  	s17 =	sld [smem:$0x3FDB];
	_ =	sdelay $0x1  }
0x9c: {  	s3 =	simm.s32 $_scs_section_size  }
0x9d: {  	s4 =	simm.s32 $_size__tile_overlayer_lowered;
	s5 =	simm.s32 $_tile_overlayer_lowered  }
0x9e: {  	s20 =	simm.s32 $0x1BFF;
	s19 =	sshll.u32 s5, $0x1;
	s2 =	sadd.s32 s3, s17  }
0x9f: {  	s6 =	simm.s32 $0x0;
	s18 =	sshll.u32 s4, $0x1;
	s4 =	sadd.s32 s19, s2  }
0xa0: {  	[timem:s6], [sflag:s20] =	dma.local [hbm:s4], s18  }
0xa1: {  	_ =	swait.ge [sflag:s20], s18  }
0xa2: {  	s3 =	ssub.s32 $0x0, s18;
	[sflag:s20] =	ssyncset.done $0x0  }
0xa3: {  	[sflag:s20] =	ssyncadd.s32 s3;
	_ =	sdelay $0x1  }
0xa4: {  	s21 =	simm.s32 $0x1B8B  }
0xa5: {  	_ =	swait.ge [sflag:s21], $0x1  }
0xa6: {  	[sflag:s21] =	ssyncset.done $0x0  }
0xa7: {  	s23 =	simm.s32 $0x1B8E;
	s22 =	sld [smem:$0x3FFE];
	[sflag:s21] =	ssyncadd.s32 $0xFFFFFFFF  }
0xa8: {  	s24 =	simm.s32 $execute0_lowered;
	[smem:$0x3FD2] =	sst s23  }
0xa9: {  	s4 =	sshll.u32 s24, $0x1;
	_ =	strace $0x80000046;
	[dreg:$0x1] =	wrdreg $0xFFFFFFFF  }
0xaa: {  	s25 =	simm.s32 $_size_execute0_lowered;
	s2 =	sadd.s32 s2, s4;
	[dreg:$0x0] =	wrdreg $0x0  }
0xab: {  	s4 =	sshll.u32 s25, $0x1;
	[dreg:$0x2] =	wrdreg s2  }
0xac: {  	[dreg:$0x3] =	wrdreg s4  }
0xad: {  	[dreg:$0x4] =	wrdreg $0xC0  }
0xae: {  	_ =	task [dreg:s6], $0x5FFFF  }
0xaf: {  	[dreg:$0x1] =	wrdreg $0xFFFFFFFF  }
0xb0: {  	[dreg:$0x0] =	wrdreg $0x60  }
0xb1: {  	[dreg:$0x2] =	wrdreg s14  }
0xb2: {  	[dreg:$0x3] =	wrdreg s15  }
0xb3: {  	[dreg:$0x4] =	wrdreg s22  }
0xb4: {  	[dreg:$0x5] =	wrdreg $0x9  }
0xb5: {  	_ =	task.clear_ibuf [dreg:s6], $0x6FFFF;
	_ =	strace $0x90000046  }
0xb6: {  	s26 =	simm.s32 $0x9;
	_ =	strace $0x80000048  }
0xb7: {  	_ =	swait.ge [sflag:s26], $0x1  }
0xb8: {  	[sflag:s26] =	ssyncadd.s32 $0xFFFFFFFF  }
0xb9: {  	_ =	strace $0x90000048  }
0xba: {  	_ =	sfence  }
0xbb: {  	s28 =	sld [smem:$0x0];
	_ =	sdelay $0x1  }
0xbc: {  	s29 =	srdreg.scid  }
0xbd: {  	s30 =	sshll.u32 s29, $0xD;
	s31 =	sshrl.u32 s29, $0x2  }
0xbe: {  	s1 =	sand.u32 $0x1, s29;
	s2 =	sand.u32 $0x4000, s30;
	s0 =	sadd.s32 s31, s28  }
0xbf: {  	s1 =	sor.u32 s2, s1;
	s0 =	sshll.u32 s0, $0x11  }
0xc0: {  	s0 =	sor.u32 s0, s1  }
0xc1: {  	s0 =	sadd.s32 $0x8F2B, s0  }
0xc2: {  	[sflag:s0] =	ssyncadd.remote.s32 $0x1  }
0xc3: {  	_ =	sfence.sel $0xFFFF  }
0xc4: {  	[dreg:$0x0] =	wrdreg $0xFFFFFFFF;
	(pc) =	sbr.abs _section_cstart, $3  }
0xc5: {  	[dreg:$0x1] =	wrdreg $0xFFFFFFFF  }
0xc6: {  	_ =	task.clear_ibuf [dreg:s6], $0x2FFFF;
	_ =	strace $0x9FFFFFFF  }
0xc7: {  	(tm) =	ssettm $0x7FFFFFFF  }
tec
execute0_lowered:
.L_overlay_start_1:
0x0: {  	(tag) =	ssettag $0x1  }
0x1: {  	s2 =	rddreg [dreg:$0x0]  }
0x2: {  	s3 =	rddreg [dreg:$0x1]  }
0x3: {  	s8 =	rddreg [dreg:$0x2]  }
0x4: {  	s0 =	rddreg [dreg:$0x3];
	_ =	strace $0x80000047;
	s4 =	simm.s32 $0x1  }
0x5: {  	s1 =	stileid.u32;
	s7 =	simm.s32 $0x1;
	s9 =	simm.s32 $0x1  }
0x6: {  	s6 =	simm.s32 $0x2;
	s10 =	simm.s32 $0x3;
	s13 =	simm.s32 $0x0  }
.Ltmp0:
0x7: {  	s12 =	simm.s32 $0x0;
	p0 =	slt.u32 s1, $0xA;
	(pc) =	sbr.rel .LBB2_1-.Ltmp0, $4  }
0x8: {  	[sflag:s4] =	ssyncpa.u1 $0x0;
	s7 =	simm.s32 @!p0 $0x0;
	p0 =	sne.s32 s1, $0x9  }
0x9: {  	s5 =	smul.u32 $0x7D0, s1;
	[sflag:s6] =	ssyncpa.u1 $0x0;
	s9 =	simm.s32 @!p0 $0x0  }
0xa: {  	s8 =	sadd.s32 $0x1A00, s8;
	[sflag:s10] =	ssyncpa.u1 $0x0;
	s7 =	sadd.s32 s9, s7  }
0xb: {  	vm0 =	vmmov $0xffff;
	s10 =	simm.s32 $0x0;
	s11 =	smov.u32 s5;
	s9 =	sadd.s32 $0x1, s7  }
.LBB2_4:
0xc: {  	v2 =	vnsel vm1, $0x0, v2  }
0xd: {  	vm1 =	vgt.s32 v0, $0x0;
	v2 =	vmin.u32 v2, $0xC34F  }
0xe: {  	v0 =	vnsel vm1, $0x0, v0  }
0xf: {  	v0 =	vmin.u32 v0, $0xC34F  }
0x10: {  	[tilespmem:s18], [sflag:$0x1] =	stream.indirect_vreg.gather [hbm4b:s2+s10], $0x1, v1, vm0, $0x4038;
	[tilespmem:$0x1F40] =	vst v63  }
0x11: {  	(ifvalue) =	ssetifvalue $0x7FFFFFFF  }
0x12: {  	[tilespmem:s15], [sflag:$0x1] =	stream.indirect_vreg.gather [hbm4b:s2+s10], $0x1, v2, vm0, $0x4038;
	[tilespmem:$0x1F40] =	vst v63  }
0x13: {  	s29 =	sadd.s32 $0x10, s15;
	(ifvalue) =	ssetifvalue $0x7FFFFFFF  }
0x14: {  	[tilespmem:s29], [sflag:$0x1] =	stream.indirect_vreg.gather [hbm4b:s2+s10], $0x1, v0, vm0, $0x4038;
	[tilespmem:$0x1F40] =	vst v63  }
0x15: {  	_ =	swait.ge [sflag:s4], $0x7D0  }
0x16: {  	s30 =	sshrl.u32 s13, $0x3;
	[sflag:s4] =	ssyncset.done $0x0  }
0x17: {  	s31 =	sand.u32 $0x7, s13;
	s15 =	sadd.s32 s8, s30;
	[sflag:s4] =	ssyncadd.s32 $0xFFFFF830  }
0x18: {  	[hbm4b:s15+s31] =	stream.linear.scatter [tilespmem:s14], [sflag:$0x3], $0x7D0, $0x38;
	[tilespmem:$0x1F40] =	vst v63  }
.LBB2_5:
0x19: {  	s15 =	sadd.s32 $0x7D00, s11  }
0x1a: {  	p1 =	sgt.s32 s15, $0xC34F  }
0x1b: {  	s15 =	smov.u32 @p1 s5;
	p1 =	sne.s32 s12, s9  }
.Ltmp1:
0x1c: {  	p0 =	slt.u32 s12, $0x2;
	(pc) =	sbr.rel @!p1 .LBB2_6-.Ltmp1, $4  }
0x1d: {  	s14 =	simm.s32 @!p0 $0x3  }
0x1e: {  	_ =	swait.ge @!p0 [sflag:s14], $0x7D0  }
0x1f: {  	s16 =	sadd.s32 $0x1, s12;
	s13 =	smov.u32 s11;
	[sflag:s14] =	ssyncset.done @!p0 $0x0  }
0x20: {  	s12 =	smov.u32 s16;
	s11 =	smov.u32 s15;
	[sflag:s14] =	ssyncadd.s32 @!p0 $0xFFFFF830  }
.LBB2_1:
0x21: {  	p0 =	sge.u32 s12, s7  }
0x22: {  	s14 =	sxor.u32 @!p0 $0x1, s12  }
0x23: {  	s14 =	smul.u32 @!p0 $0x1F40, s14  }
0x24: {  	s31 =	sadd.s32 $0xFFFFFFFF, s12;
	s15 =	sshrl.u32 @!p0 s11, $0x3  }
0x25: {  	s16 =	sand.u32 @!p0 $0x7, s11;
	s15 =	sadd.s32 @!p0 s3, s15;
	s14 =	sshra.s32 @!p0 s14, $0x2  }
0x26: {  	[tilespmem:s14], [sflag:$0x2] =	stream.linear.gather @!p0 [hbm4b:s15+s16], $0x7D0, $0x38;
	[tilespmem:$0x1F40] =	vst v63  }
0x27: {  	p0 =	sge.u32 s31, s7  }
.Ltmp2:
0x28: {  	_ = 	snop;
	(pc) =	sbr.rel @p0 .LBB2_5-.Ltmp2, $1  }
0x29: {  	_ =	sdelay $0x3  }
0x2a: {  	s14 =	sand.u32 $0x1, s12  }
0x2b: {  	_ =	swait.ge [sflag:s6], $0x7D0;
	p0 =	seq.s32 s14, $0x1;
	s14 =	simm.s32 $0x7D0  }
0x2c: {  	[sflag:s6] =	ssyncset.done $0x0;
	s14 =	simm.s32 @!p0 $0x0  }
0x2d: {  	[sflag:s6] =	ssyncadd.s32 $0xFFFFF830;
	(ifvalue) =	ssetifvalue $0x7FFFFFFF;
	v0 =	vld.msk [tilespmem:s14+$0x0 ss:$0x1], $0xffff;
	_ =	sdelay $0x4  }
0x2e: {  	s15 =	sadd.s32 $0x10, s14;
	vm1 =	vgt.s32 v0, $0x0  }
0x2f: {  	v2 =	vld.msk [tilespmem:s15+$0x0 ss:$0x1], $0xffff;
	v1 =	vnsel vm1, $0x0, v0  }
0x30: {  	v1 =	vmin.u32 v1, $0xC34F;
	_ =	sdelay $0x2  }
0x31: {  	s17 =	simm.s32 $0x20;
	s14 =	sadd.s32 $0xFA0, s14;
	s16 =	sadd.s32 $0x10, s15  }
0x32: {  	s15 =	sadd.s32 $0x10, s14;
	s18 =	smov.u32 s14;
	v0 =	vld.msk [tilespmem:s16+$0x0 ss:$0x1], $0xffff;
	vm1 =	vgt.s32 v2, $0x0;
	(ifvalue) =	ssetifvalue $0x7FFFFFFF  }
.LBB2_3:
0x33: {  	[tilespmem:s18], [sflag:$0x1] =	stream.indirect_vreg.gather [hbm4b:s2+s10], $0x1, v1, vm0, $0x4038;
	[tilespmem:$0x1F40] =	vst v63  }
0x34: {  	s17 =	sadd.s32 $0x10, s17  }
0x35: {  	v2 =	vnsel vm1, $0x0, v2;
	p0 =	slt.u32 s17, $0x7C0  }
.Ltmp3:
0x36: {  	s18 =	smov.u32 s15;
	v1 =	vmin.u32 v2, $0xC34F;
	(pc) =	sbr.rel @p0 .LBB2_3-.Ltmp3, $3  }
0x37: {  	_ =	sdelay $0x1  }
0x38: {  	s16 =	sadd.s32 $0x10, s16  }
0x39: {  	vm1 =	vgt.s32 v0, $0x0;
	s15 =	sadd.s32 $0x10, s15;
	v2 =	vmov v0;
	(ifvalue) =	ssetifvalue $0x7FFFFFFF;
	v0 =	vld.msk [tilespmem:s16+$0x0 ss:$0x1], $0xffff  }
.Ltmp4:
0x3a: {  	_ = 	snop;
	(pc) =	sbr.rel .LBB2_4-.Ltmp4, $1  }
0x3b: {  	_ =	sdelay $0x3  }
.LBB2_6:
0x3c: {  	_ =	sfence.sel $0x180000  }
0x3d: {  	s2 =	simm.s32 $0x2;
	[bflag:$0x0] =	sbarrier.arrive $0xFFFF  }
0x3e: {  	s30 =	simm.s32 $0x3;
	[sflag:s2] =	ssyncpa.u1 $0x1  }
0x3f: {  	s31 =	simm.s32 $0x1;
	[sflag:s30] =	ssyncpa.u1 $0x1  }
0x40: {  	[sflag:s31] =	ssyncpa.u1 $0x1  }
0x41: {  	p0 =	sne.s32 s1, $0x0;
	_ =	strace $0x90000047  }
0x42: {  	s0 =	sadd.s32 @!p0 $0x100000, s0;
	[bflag:$0x2] =	sbarrier.arrive $0xFFFF  }
0x43: {  	[sflag:s0] =	ssyncadd.tile.s32 @!p0 $0x1;
	_ =	shalt  }
.Lfunc_end2:
_tile_overlayer_lowered:
.L_overlay_start_2:
0x44: {  	(tag) =	ssettag $0x2  }
0x45: {  	s0 =	rddreg [dreg:$0x0];
	s2 =	stileid.u32  }
0x46: {  	s1 =	rddreg [dreg:$0x1];
	p0 =	sne.s32 s2, $0x0  }
0x47: {  	s3 =	rddreg [dreg:$0x2];
	[bflag:$0x3] =	sbarrier.arrive $0xFFFF;
	s2 =	simm.s32 @!p0 $0x1C01  }
0x48: {  	[timem:s3], [sflag:s2] =	dma.local @!p0 [hbm:s0], s1  }
0x49: {  	s0 =	simm.s32 @!p0 $0x1  }
0x4a: {  	_ =	swait.ge @!p0 [sflag:s0], s1  }
0x4b: {  	s1 =	ssub.s32 @!p0 $0x0, s1;
	[sflag:s0] =	ssyncset.done @!p0 $0x0  }
0x4c: {  	[sflag:s0] =	ssyncadd.s32 @!p0 s1  }
0x4d: {  	[bflag:$0x3] =	sbarrier.arrive $0xFFFF  }
0x4e: {  	_ =	shalt  }

</sc_bundles>
